<compile_context>
chip_gen: v7x
topology: tpu7x:2x2x1
jax: 0.10.2.dev20260603
libtpu: 0.0.44.dev20260713+nightly
codegen_flags: <defaults>
</compile_context>

<pallas_src>
import jax
import jax.numpy as jnp
from jax import lax
from jax.experimental import pallas as pl
from jax.experimental.pallas import tpu as pltpu
from jax.experimental.pallas import tpu_sc as plsc
from jax._src.pallas import core as pallas_core
from jax._src.pallas import mpmd
from jax._src.pallas.mosaic import core as tpu_core

_DIM = 2048
_NC, _NS = 2, 16
_NW = _NC * _NS
_C = 8
_D = 4
_P = 3

_S = 4096
_R = 64
_IDXB = 128


def kernel(position_ids, embed_table):
    b, s = position_ids.shape
    n = b * s
    n_scs = _NC * _S
    n_tec = n - n_scs
    b_per_w = n_tec // _NW
    nch = b_per_w // _C
    idx = position_ids.reshape(n).astype(jnp.int32)

    scalar_mesh = plsc.ScalarSubcoreMesh(axis_name="c", num_cores=_NC)
    vector_mesh = plsc.VectorSubcoreMesh(core_axis_name="c", subcore_axis_name="s")
    v_vmem = pallas_core.CoreMemorySpace(tpu_core.MemorySpace.VMEM, vector_mesh)
    s_smem = pallas_core.CoreMemorySpace(tpu_core.MemorySpace.SMEM, scalar_mesh)

    def tec_fn(table_hbm, idx_hbm, out_hbm, idx_v, *scratch):
        bufs = scratch[:_D]
        gsems = scratch[_D:2 * _D]
        wsems = scratch[2 * _D:3 * _D]
        wid = lax.axis_index("c") * _NS + lax.axis_index("s")
        base = wid * b_per_w
        pltpu.sync_copy(idx_hbm.at[pl.ds(base, b_per_w)], idx_v)

        def start_gather(g, slot):
            pltpu.async_copy(
                table_hbm.at[idx_v.at[pl.ds(g * _C, _C)]], bufs[slot], gsems[slot])

        def wait_gather(slot):
            pltpu.make_async_copy(
                table_hbm.at[idx_v.at[pl.ds(0, _C)]], bufs[slot], gsems[slot]).wait()

        def start_write(g, slot):
            pltpu.async_copy(
                bufs[slot], out_hbm.at[pl.ds(base + g * _C, _C)], wsems[slot])

        def wait_write(slot):
            pltpu.make_async_copy(
                bufs[slot], out_hbm.at[pl.ds(base, _C)], wsems[slot]).wait()

        for j in range(_P):
            start_gather(j, j)

        @pl.loop(0, nch, step=_D)
        def _(g0):
            for k in range(_D):
                g = g0 + k
                slot = k
                pf_slot = (k + _P) % _D

                @pl.when(g + _P < nch)
                def _():
                    @pl.when(g + _P - _D >= 0)
                    def _():
                        wait_write(pf_slot)

                    start_gather(g + _P, pf_slot)

                wait_gather(slot)
                start_write(g, slot)

        for i in range(_D):
            wait_write((nch - _D + i) % _D)

    def scs_fn(table_hbm, idx_hbm, out_hbm, idx_v, *scratch):
        sc = scratch[3 * _D:]
        slabs = sc[0:2]
        idx_s = sc[2]
        isems = sc[3:5]
        gsems = sc[5:7]
        wsems = sc[7:9]
        cid = lax.axis_index("c")
        base = n_tec + cid * _S
        nu = _S // _IDXB
        nb = _S // _R

        def start_idx(u, k):
            pltpu.async_copy(
                idx_hbm.at[pl.ds(base + u * _IDXB, _IDXB)], idx_s.at[k], isems[k])

        def wait_idx(k):
            pltpu.make_async_copy(
                idx_hbm.at[pl.ds(base, _IDXB)], idx_s.at[k], isems[k]).wait()

        def start_batch(t, k, half, slot):
            @pl.loop(0, _R)
            def _(i):
                row = idx_s[k, half * _R + i]
                pltpu.async_copy(
                    table_hbm.at[pl.ds(row, 1)],
                    slabs[slot].at[cid, pl.ds(i, 1)],
                    gsems[slot])

        def wait_batch(slot):
            pltpu.make_async_copy(
                table_hbm.at[pl.ds(0, _R)], slabs[slot].at[cid], gsems[slot]).wait()

        def start_write(t, slot):
            pltpu.async_copy(
                slabs[slot].at[cid], out_hbm.at[pl.ds(base + t * _R, _R)],
                wsems[slot])

        def wait_write(slot):
            pltpu.make_async_copy(
                slabs[slot].at[cid], out_hbm.at[pl.ds(base, _R)],
                wsems[slot]).wait()

        start_idx(0, 0)
        start_idx(1, 1)

        @pl.loop(0, nu, step=2)
        def _(u0):
            for k in range(2):
                u = u0 + k
                wait_idx(k)
                for half in range(2):
                    t = 2 * u + half
                    slot = half

                    @pl.when(t >= 2)
                    def _():
                        wait_write(slot)

                    start_batch(t, k, half, slot)
                    wait_batch(slot)
                    start_write(t, slot)

                @pl.when(u + 2 < nu)
                def _():
                    start_idx(u + 2, k)

        wait_write(0)
        wait_write(1)

    scratch_types = (
        [v_vmem((b_per_w,), jnp.int32)]
        + [v_vmem((_C, _DIM), jnp.float32)] * _D
        + [pltpu.SemaphoreType.DMA @ vector_mesh] * (2 * _D)
        + [pltpu.VMEM_SHARED((_NC, _R, _DIM), jnp.float32)] * 2
        + [s_smem((2, _IDXB), jnp.int32)]
        + [pltpu.SemaphoreType.DMA @ scalar_mesh] * 6
    )

    run = mpmd.mpmd_map(
        [(vector_mesh, tec_fn), (scalar_mesh, scs_fn)],
        out_types=jax.ShapeDtypeStruct((n, _DIM), jnp.float32),
        scratch_types=scratch_types,
    )
    return run(embed_table, idx).reshape(b, s, _DIM)

# --- scband reference (transcript-rebuilt; emitter-appended) ---
"""Pipeline reference for scband-fixed-absolute-positional-embedding-6897717477670 (READ-ONLY COPY).

The authoritative reference and input builder live on the scoring server;
editing this copy changes nothing except your own understanding.
"""

import jax, jax.numpy as jnp
import numpy as np

DIM = 2048
MAX_POS = 16384

def _build_table():
    inv_freq = 1.0 / (10000.0 ** (np.arange(0, DIM, 2, dtype=np.float32) / DIM))
    t = np.arange(MAX_POS, dtype=np.float32)
    sinusoid_inp = np.einsum('i,j->ij', t, inv_freq)
    emb = np.concatenate([np.sin(sinusoid_inp), np.cos(sinusoid_inp)], axis=-1)
    return jnp.asarray(emb, dtype=jnp.float32)

def setup_inputs(seed: int = 0):
    key = jax.random.key(seed)
    position_ids = jax.random.randint(key, (4, 8192), 0, MAX_POS, dtype=jnp.int32)
    embed_table = _build_table()
    return {"position_ids": position_ids, "embed_table": embed_table}

def reference(position_ids, embed_table):
    # faithful to nn.Embedding lookup of precomputed sinusoidal table
    idx = position_ids.astype(jnp.int32)
    return jnp.take(embed_table, idx, axis=0)

if __name__ == "__main__":
    import jax
    _d = setup_inputs()
    print(jax.jit(kernel)(*tuple(_d.values())))

</pallas_src>

<mosaic_0001>
#map = affine_map<(d0, d1) -> (0, 0)>
#map1 = affine_map<(d0, d1) -> (0)>
#map2 = affine_map<(d0) -> (0, 0)>
#map3 = affine_map<(d0) -> (0)>
module attributes {stable_mosaic.version = 14 : i64} {
  func.func @tec_fn(%arg0: i32, %arg1: i32, %arg2: memref<16384x2048xf32, #tpu.memory_space<hbm>>, %arg3: memref<32768xi32, #tpu.memory_space<hbm>>, %arg4: memref<32768x2048xf32, #tpu.memory_space<hbm>>, %arg5: memref<768xi32, #tpu.memory_space<vmem>>, %arg6: memref<8x2048xf32, #tpu.memory_space<vmem>>, %arg7: memref<8x2048xf32, #tpu.memory_space<vmem>>, %arg8: memref<8x2048xf32, #tpu.memory_space<vmem>>, %arg9: memref<8x2048xf32, #tpu.memory_space<vmem>>, %arg10: memref<!tpu.dma_semaphore, #tpu.memory_space<semaphore_mem>>, %arg11: memref<!tpu.dma_semaphore, #tpu.memory_space<semaphore_mem>>, %arg12: memref<!tpu.dma_semaphore, #tpu.memory_space<semaphore_mem>>, %arg13: memref<!tpu.dma_semaphore, #tpu.memory_space<semaphore_mem>>, %arg14: memref<!tpu.dma_semaphore, #tpu.memory_space<semaphore_mem>>, %arg15: memref<!tpu.dma_semaphore, #tpu.memory_space<semaphore_mem>>, %arg16: memref<!tpu.dma_semaphore, #tpu.memory_space<semaphore_mem>>, %arg17: memref<!tpu.dma_semaphore, #tpu.memory_space<semaphore_mem>>, %arg18: memref<2x64x2048xf32, #tpu.memory_space<vmem_shared>>, %arg19: memref<2x64x2048xf32, #tpu.memory_space<vmem_shared>>, %arg20: memref<2x128xi32, #tpu.memory_space<smem, sc_scalar_subcore>>, %arg21: memref<!tpu.dma_semaphore, #tpu.memory_space<semaphore_mem, sc_scalar_subcore>>, %arg22: memref<!tpu.dma_semaphore, #tpu.memory_space<semaphore_mem, sc_scalar_subcore>>, %arg23: memref<!tpu.dma_semaphore, #tpu.memory_space<semaphore_mem, sc_scalar_subcore>>, %arg24: memref<!tpu.dma_semaphore, #tpu.memory_space<semaphore_mem, sc_scalar_subcore>>, %arg25: memref<!tpu.dma_semaphore, #tpu.memory_space<semaphore_mem, sc_scalar_subcore>>, %arg26: memref<!tpu.dma_semaphore, #tpu.memory_space<semaphore_mem, sc_scalar_subcore>>) attributes {dimension_semantics = [#tpu.dimension_semantics<core_parallel>, #tpu.dimension_semantics<subcore_parallel>], iteration_bounds = array<i64: 2, 16>, scalar_prefetch = 0 : i64, scratch_operands = 22 : i64, tpu.core_type = #tpu.core_type<sc_vector_subcore>, window_params = [{transform_indices = #map}, {transform_indices = #map1}, {transform_indices = #map}]} {
    %mul3A = arith.constant 16 : i32
    %mul3A_0 = arith.muli %arg0, %mul3A : i32
    %add3A = arith.addi %mul3A_0, %arg1 : i32
    %mul3A_1 = arith.constant 768 : i32
    %mul3A_2 = arith.muli %add3A, %mul3A_1 : i32
    "tpu.region"() ({
      %run_scoped3A = tpu.sem_alloc : memref<!tpu.dma_semaphore, #tpu.memory_space<semaphore_mem>>
      %dma_start3A_36 = tpu.memref_slice %arg3[%mul3A_2] : memref<32768xi32, #tpu.memory_space<hbm>> -> memref<768xi32, #tpu.memory_space<hbm>>
      %dma_start3A_37 = tpu.memref_slice %arg3[%mul3A_2] : memref<32768xi32, #tpu.memory_space<hbm>> -> memref<768xi32, #tpu.memory_space<hbm>>
      tpu.enqueue_dma source(%dma_start3A_37 : memref<768xi32, #tpu.memory_space<hbm>>) target(%arg5 : memref<768xi32, #tpu.memory_space<vmem>>) target_semaphore(%run_scoped3A : memref<!tpu.dma_semaphore, #tpu.memory_space<semaphore_mem>>)
      %dma_wait3A_38 = tpu.memref_slice %arg3[%mul3A_2] : memref<32768xi32, #tpu.memory_space<hbm>> -> memref<768xi32, #tpu.memory_space<hbm>>
      %dma_wait3A_39 = tpu.memref_slice %arg3[%mul3A_2] : memref<32768xi32, #tpu.memory_space<hbm>> -> memref<768xi32, #tpu.memory_space<hbm>>
      tpu.wait_dma2 semaphore(%run_scoped3A : memref<!tpu.dma_semaphore, #tpu.memory_space<semaphore_mem>>) src(%dma_wait3A_39 : memref<768xi32, #tpu.memory_space<hbm>>) dst(%arg5 : memref<768xi32, #tpu.memory_space<vmem>>)
      tpu.yield
    }) : () -> ()
    %dma_start3A = arith.constant 0 : i32
    %dma_start3A_3 = tpu.memref_slice %arg5[%dma_start3A] : memref<768xi32, #tpu.memory_space<vmem>> -> memref<8xi32, #tpu.memory_space<vmem>>
    %dma_start3A_4 = arith.constant 0 : i32
    %dma_start3A_5 = arith.constant 0 : i32
    %dma_start3A_6 = tpu.memref_slice %arg2[%dma_start3A_4, %dma_start3A_5] : memref<16384x2048xf32, #tpu.memory_space<hbm>> -> memref<16384x2048xf32, #tpu.memory_space<hbm>>
    tpu.enqueue_indirect_dma source(%dma_start3A_6 : memref<16384x2048xf32, #tpu.memory_space<hbm>>) target(%arg6 : memref<8x2048xf32, #tpu.memory_space<vmem>>) offsets(%dma_start3A_3 : memref<8xi32, #tpu.memory_space<vmem>>) semaphore(%arg10 : memref<!tpu.dma_semaphore, #tpu.memory_space<semaphore_mem>>)
    %dma_start3A_7 = arith.constant 8 : i32
    %dma_start3A_8 = tpu.memref_slice %arg5[%dma_start3A_7] : memref<768xi32, #tpu.memory_space<vmem>> -> memref<8xi32, #tpu.memory_space<vmem>>
    %dma_start3A_9 = arith.constant 0 : i32
    %dma_start3A_10 = arith.constant 0 : i32
    %dma_start3A_11 = tpu.memref_slice %arg2[%dma_start3A_9, %dma_start3A_10] : memref<16384x2048xf32, #tpu.memory_space<hbm>> -> memref<16384x2048xf32, #tpu.memory_space<hbm>>
    tpu.enqueue_indirect_dma source(%dma_start3A_11 : memref<16384x2048xf32, #tpu.memory_space<hbm>>) target(%arg7 : memref<8x2048xf32, #tpu.memory_space<vmem>>) offsets(%dma_start3A_8 : memref<8xi32, #tpu.memory_space<vmem>>) semaphore(%arg11 : memref<!tpu.dma_semaphore, #tpu.memory_space<semaphore_mem>>)
    %dma_start3A_12 = arith.constant 16 : i32
    %dma_start3A_13 = tpu.memref_slice %arg5[%dma_start3A_12] : memref<768xi32, #tpu.memory_space<vmem>> -> memref<8xi32, #tpu.memory_space<vmem>>
    %dma_start3A_14 = arith.constant 0 : i32
    %dma_start3A_15 = arith.constant 0 : i32
    %dma_start3A_16 = tpu.memref_slice %arg2[%dma_start3A_14, %dma_start3A_15] : memref<16384x2048xf32, #tpu.memory_space<hbm>> -> memref<16384x2048xf32, #tpu.memory_space<hbm>>
    tpu.enqueue_indirect_dma source(%dma_start3A_16 : memref<16384x2048xf32, #tpu.memory_space<hbm>>) target(%arg8 : memref<8x2048xf32, #tpu.memory_space<vmem>>) offsets(%dma_start3A_13 : memref<8xi32, #tpu.memory_space<vmem>>) semaphore(%arg12 : memref<!tpu.dma_semaphore, #tpu.memory_space<semaphore_mem>>)
    %scan3A = arith.constant 0 : i32
    %scan3A_17 = arith.constant 24 : i32
    %scan3A_18 = arith.addi %scan3A, %scan3A_17 : i32
    %scan3A_19 = arith.constant 1 : i32
    scf.for %scan3A_36 = %scan3A to %scan3A_18 step %scan3A_19  : i32 {
      %mul3A_37 = arith.constant 4 : i32
      %mul3A_38 = arith.muli %scan3A_36, %mul3A_37 : i32
      %add3A_39 = arith.constant 0 : i32
      %add3A_40 = arith.addi %add3A_39, %mul3A_38 : i32
      %add3A_41 = arith.constant 0 : i32
      %add3A_42 = arith.addi %add3A_40, %add3A_41 : i32
      %add3A_43 = arith.constant 3 : i32
      %add3A_44 = arith.addi %add3A_42, %add3A_43 : i32
      %lt3A = arith.constant 96 : i32
      %lt3A_45 = arith.cmpi slt, %add3A_44, %lt3A : i32
      %convert_element_type3A = arith.extui %lt3A_45 : i1 to i32
      %cond3A = arith.constant 0 : i32
      %cond3A_46 = arith.cmpi ne, %convert_element_type3A, %cond3A : i32
      scf.if %cond3A_46 {
        %add3A_122 = arith.constant 3 : i32
        %add3A_123 = arith.addi %add3A_42, %add3A_122 : i32
        %sub3A = arith.constant 4 : i32
        %sub3A_124 = arith.subi %add3A_123, %sub3A : i32
        %ge3A = arith.constant 0 : i32
        %ge3A_125 = arith.cmpi sge, %sub3A_124, %ge3A : i32
        %convert_element_type3A_126 = arith.extui %ge3A_125 : i1 to i32
        %cond3A_127 = arith.constant 0 : i32
        %cond3A_128 = arith.cmpi ne, %convert_element_type3A_126, %cond3A_127 : i32
        scf.if %cond3A_128 {
          %dma_wait3A_137 = arith.constant 0 : i32
          %dma_wait3A_138 = tpu.memref_slice %arg4[%mul3A_2, %dma_wait3A_137] : memref<32768x2048xf32, #tpu.memory_space<hbm>> -> memref<8x2048xf32, #tpu.memory_space<hbm>>
          %dma_wait3A_139 = arith.constant 0 : i32
          %dma_wait3A_140 = tpu.memref_slice %arg4[%mul3A_2, %dma_wait3A_139] : memref<32768x2048xf32, #tpu.memory_space<hbm>> -> memref<8x2048xf32, #tpu.memory_space<hbm>>
          tpu.wait_dma2 semaphore(%arg17 : memref<!tpu.dma_semaphore, #tpu.memory_space<semaphore_mem>>) src(%arg9 : memref<8x2048xf32, #tpu.memory_space<vmem>>) dst(%dma_wait3A_140 : memref<8x2048xf32, #tpu.memory_space<hbm>>)
        } else {
        }
        %add3A_129 = arith.constant 3 : i32
        %add3A_130 = arith.addi %add3A_42, %add3A_129 : i32
        %mul3A_131 = arith.constant 8 : i32
        %mul3A_132 = arith.muli %add3A_130, %mul3A_131 : i32
        %dma_start3A_133 = tpu.memref_slice %arg5[%mul3A_132] : memref<768xi32, #tpu.memory_space<vmem>> -> memref<8xi32, #tpu.memory_space<vmem>>
        %dma_start3A_134 = arith.constant 0 : i32
        %dma_start3A_135 = arith.constant 0 : i32
        %dma_start3A_136 = tpu.memref_slice %arg2[%dma_start3A_134, %dma_start3A_135] : memref<16384x2048xf32, #tpu.memory_space<hbm>> -> memref<16384x2048xf32, #tpu.memory_space<hbm>>
        tpu.enqueue_indirect_dma source(%dma_start3A_136 : memref<16384x2048xf32, #tpu.memory_space<hbm>>) target(%arg9 : memref<8x2048xf32, #tpu.memory_space<vmem>>) offsets(%dma_start3A_133 : memref<8xi32, #tpu.memory_space<vmem>>) semaphore(%arg13 : memref<!tpu.dma_semaphore, #tpu.memory_space<semaphore_mem>>)
      } else {
      }
      %dma_wait3A_47 = arith.constant 0 : i32
      %dma_wait3A_48 = tpu.memref_slice %arg5[%dma_wait3A_47] : memref<768xi32, #tpu.memory_space<vmem>> -> memref<8xi32, #tpu.memory_space<vmem>>
      %dma_wait3A_49 = arith.constant 0 : i32
      %dma_wait3A_50 = arith.constant 0 : i32
      %dma_wait3A_51 = tpu.memref_slice %arg2[%dma_wait3A_49, %dma_wait3A_50] : memref<16384x2048xf32, #tpu.memory_space<hbm>> -> memref<16384x2048xf32, #tpu.memory_space<hbm>>
      tpu.wait_indirect_dma semaphore(%arg10 : memref<!tpu.dma_semaphore, #tpu.memory_space<semaphore_mem>>) src(%dma_wait3A_51 : memref<16384x2048xf32, #tpu.memory_space<hbm>>) dst(%arg6 : memref<8x2048xf32, #tpu.memory_space<vmem>>)
      %mul3A_52 = arith.constant 8 : i32
      %mul3A_53 = arith.muli %add3A_42, %mul3A_52 : i32
      %add3A_54 = arith.addi %mul3A_2, %mul3A_53 : i32
      %dma_start3A_55 = arith.constant 0 : i32
      %dma_start3A_56 = tpu.memref_slice %arg4[%add3A_54, %dma_start3A_55] : memref<32768x2048xf32, #tpu.memory_space<hbm>> -> memref<8x2048xf32, #tpu.memory_space<hbm>>
      %dma_start3A_57 = arith.constant 0 : i32
      %dma_start3A_58 = tpu.memref_slice %arg4[%add3A_54, %dma_start3A_57] : memref<32768x2048xf32, #tpu.memory_space<hbm>> -> memref<8x2048xf32, #tpu.memory_space<hbm>>
      tpu.enqueue_dma source(%arg6 : memref<8x2048xf32, #tpu.memory_space<vmem>>) target(%dma_start3A_58 : memref<8x2048xf32, #tpu.memory_space<hbm>>) target_semaphore(%arg14 : memref<!tpu.dma_semaphore, #tpu.memory_space<semaphore_mem>>)
      %add3A_59 = arith.constant 1 : i32
      %add3A_60 = arith.addi %add3A_40, %add3A_59 : i32
      %add3A_61 = arith.constant 3 : i32
      %add3A_62 = arith.addi %add3A_60, %add3A_61 : i32
      %lt3A_63 = arith.constant 96 : i32
      %lt3A_64 = arith.cmpi slt, %add3A_62, %lt3A_63 : i32
      %convert_element_type3A_65 = arith.extui %lt3A_64 : i1 to i32
      %cond3A_66 = arith.constant 0 : i32
      %cond3A_67 = arith.cmpi ne, %convert_element_type3A_65, %cond3A_66 : i32
      scf.if %cond3A_67 {
        %add3A_122 = arith.constant 3 : i32
        %add3A_123 = arith.addi %add3A_60, %add3A_122 : i32
        %sub3A = arith.constant 4 : i32
        %sub3A_124 = arith.subi %add3A_123, %sub3A : i32
        %ge3A = arith.constant 0 : i32
        %ge3A_125 = arith.cmpi sge, %sub3A_124, %ge3A : i32
        %convert_element_type3A_126 = arith.extui %ge3A_125 : i1 to i32
        %cond3A_127 = arith.constant 0 : i32
        %cond3A_128 = arith.cmpi ne, %convert_element_type3A_126, %cond3A_127 : i32
        scf.if %cond3A_128 {
          %dma_wait3A_137 = arith.constant 0 : i32
          %dma_wait3A_138 = tpu.memref_slice %arg4[%mul3A_2, %dma_wait3A_137] : memref<32768x2048xf32, #tpu.memory_space<hbm>> -> memref<8x2048xf32, #tpu.memory_space<hbm>>
          %dma_wait3A_139 = arith.constant 0 : i32
          %dma_wait3A_140 = tpu.memref_slice %arg4[%mul3A_2, %dma_wait3A_139] : memref<32768x2048xf32, #tpu.memory_space<hbm>> -> memref<8x2048xf32, #tpu.memory_space<hbm>>
          tpu.wait_dma2 semaphore(%arg14 : memref<!tpu.dma_semaphore, #tpu.memory_space<semaphore_mem>>) src(%arg6 : memref<8x2048xf32, #tpu.memory_space<vmem>>) dst(%dma_wait3A_140 : memref<8x2048xf32, #tpu.memory_space<hbm>>)
        } else {
        }
        %add3A_129 = arith.constant 3 : i32
        %add3A_130 = arith.addi %add3A_60, %add3A_129 : i32
        %mul3A_131 = arith.constant 8 : i32
        %mul3A_132 = arith.muli %add3A_130, %mul3A_131 : i32
        %dma_start3A_133 = tpu.memref_slice %arg5[%mul3A_132] : memref<768xi32, #tpu.memory_space<vmem>> -> memref<8xi32, #tpu.memory_space<vmem>>
        %dma_start3A_134 = arith.constant 0 : i32
        %dma_start3A_135 = arith.constant 0 : i32
        %dma_start3A_136 = tpu.memref_slice %arg2[%dma_start3A_134, %dma_start3A_135] : memref<16384x2048xf32, #tpu.memory_space<hbm>> -> memref<16384x2048xf32, #tpu.memory_space<hbm>>
        tpu.enqueue_indirect_dma source(%dma_start3A_136 : memref<16384x2048xf32, #tpu.memory_space<hbm>>) target(%arg6 : memref<8x2048xf32, #tpu.memory_space<vmem>>) offsets(%dma_start3A_133 : memref<8xi32, #tpu.memory_space<vmem>>) semaphore(%arg10 : memref<!tpu.dma_semaphore, #tpu.memory_space<semaphore_mem>>)
      } else {
      }
      %dma_wait3A_68 = arith.constant 0 : i32
      %dma_wait3A_69 = tpu.memref_slice %arg5[%dma_wait3A_68] : memref<768xi32, #tpu.memory_space<vmem>> -> memref<8xi32, #tpu.memory_space<vmem>>
      %dma_wait3A_70 = arith.constant 0 : i32
      %dma_wait3A_71 = arith.constant 0 : i32
      %dma_wait3A_72 = tpu.memref_slice %arg2[%dma_wait3A_70, %dma_wait3A_71] : memref<16384x2048xf32, #tpu.memory_space<hbm>> -> memref<16384x2048xf32, #tpu.memory_space<hbm>>
      tpu.wait_indirect_dma semaphore(%arg11 : memref<!tpu.dma_semaphore, #tpu.memory_space<semaphore_mem>>) src(%dma_wait3A_72 : memref<16384x2048xf32, #tpu.memory_space<hbm>>) dst(%arg7 : memref<8x2048xf32, #tpu.memory_space<vmem>>)
      %mul3A_73 = arith.constant 8 : i32
      %mul3A_74 = arith.muli %add3A_60, %mul3A_73 : i32
      %add3A_75 = arith.addi %mul3A_2, %mul3A_74 : i32
      %dma_start3A_76 = arith.constant 0 : i32
      %dma_start3A_77 = tpu.memref_slice %arg4[%add3A_75, %dma_start3A_76] : memref<32768x2048xf32, #tpu.memory_space<hbm>> -> memref<8x2048xf32, #tpu.memory_space<hbm>>
      %dma_start3A_78 = arith.constant 0 : i32
      %dma_start3A_79 = tpu.memref_slice %arg4[%add3A_75, %dma_start3A_78] : memref<32768x2048xf32, #tpu.memory_space<hbm>> -> memref<8x2048xf32, #tpu.memory_space<hbm>>
      tpu.enqueue_dma source(%arg7 : memref<8x2048xf32, #tpu.memory_space<vmem>>) target(%dma_start3A_79 : memref<8x2048xf32, #tpu.memory_space<hbm>>) target_semaphore(%arg15 : memref<!tpu.dma_semaphore, #tpu.memory_space<semaphore_mem>>)
      %add3A_80 = arith.constant 2 : i32
      %add3A_81 = arith.addi %add3A_40, %add3A_80 : i32
      %add3A_82 = arith.constant 3 : i32
      %add3A_83 = arith.addi %add3A_81, %add3A_82 : i32
      %lt3A_84 = arith.constant 96 : i32
      %lt3A_85 = arith.cmpi slt, %add3A_83, %lt3A_84 : i32
      %convert_element_type3A_86 = arith.extui %lt3A_85 : i1 to i32
      %cond3A_87 = arith.constant 0 : i32
      %cond3A_88 = arith.cmpi ne, %convert_element_type3A_86, %cond3A_87 : i32
      scf.if %cond3A_88 {
        %add3A_122 = arith.constant 3 : i32
        %add3A_123 = arith.addi %add3A_81, %add3A_122 : i32
        %sub3A = arith.constant 4 : i32
        %sub3A_124 = arith.subi %add3A_123, %sub3A : i32
        %ge3A = arith.constant 0 : i32
        %ge3A_125 = arith.cmpi sge, %sub3A_124, %ge3A : i32
        %convert_element_type3A_126 = arith.extui %ge3A_125 : i1 to i32
        %cond3A_127 = arith.constant 0 : i32
        %cond3A_128 = arith.cmpi ne, %convert_element_type3A_126, %cond3A_127 : i32
        scf.if %cond3A_128 {
          %dma_wait3A_137 = arith.constant 0 : i32
          %dma_wait3A_138 = tpu.memref_slice %arg4[%mul3A_2, %dma_wait3A_137] : memref<32768x2048xf32, #tpu.memory_space<hbm>> -> memref<8x2048xf32, #tpu.memory_space<hbm>>
          %dma_wait3A_139 = arith.constant 0 : i32
          %dma_wait3A_140 = tpu.memref_slice %arg4[%mul3A_2, %dma_wait3A_139] : memref<32768x2048xf32, #tpu.memory_space<hbm>> -> memref<8x2048xf32, #tpu.memory_space<hbm>>
          tpu.wait_dma2 semaphore(%arg15 : memref<!tpu.dma_semaphore, #tpu.memory_space<semaphore_mem>>) src(%arg7 : memref<8x2048xf32, #tpu.memory_space<vmem>>) dst(%dma_wait3A_140 : memref<8x2048xf32, #tpu.memory_space<hbm>>)
        } else {
        }
        %add3A_129 = arith.constant 3 : i32
        %add3A_130 = arith.addi %add3A_81, %add3A_129 : i32
        %mul3A_131 = arith.constant 8 : i32
        %mul3A_132 = arith.muli %add3A_130, %mul3A_131 : i32
        %dma_start3A_133 = tpu.memref_slice %arg5[%mul3A_132] : memref<768xi32, #tpu.memory_space<vmem>> -> memref<8xi32, #tpu.memory_space<vmem>>
        %dma_start3A_134 = arith.constant 0 : i32
        %dma_start3A_135 = arith.constant 0 : i32
        %dma_start3A_136 = tpu.memref_slice %arg2[%dma_start3A_134, %dma_start3A_135] : memref<16384x2048xf32, #tpu.memory_space<hbm>> -> memref<16384x2048xf32, #tpu.memory_space<hbm>>
        tpu.enqueue_indirect_dma source(%dma_start3A_136 : memref<16384x2048xf32, #tpu.memory_space<hbm>>) target(%arg7 : memref<8x2048xf32, #tpu.memory_space<vmem>>) offsets(%dma_start3A_133 : memref<8xi32, #tpu.memory_space<vmem>>) semaphore(%arg11 : memref<!tpu.dma_semaphore, #tpu.memory_space<semaphore_mem>>)
      } else {
      }
      %dma_wait3A_89 = arith.constant 0 : i32
      %dma_wait3A_90 = tpu.memref_slice %arg5[%dma_wait3A_89] : memref<768xi32, #tpu.memory_space<vmem>> -> memref<8xi32, #tpu.memory_space<vmem>>
      %dma_wait3A_91 = arith.constant 0 : i32
      %dma_wait3A_92 = arith.constant 0 : i32
      %dma_wait3A_93 = tpu.memref_slice %arg2[%dma_wait3A_91, %dma_wait3A_92] : memref<16384x2048xf32, #tpu.memory_space<hbm>> -> memref<16384x2048xf32, #tpu.memory_space<hbm>>
      tpu.wait_indirect_dma semaphore(%arg12 : memref<!tpu.dma_semaphore, #tpu.memory_space<semaphore_mem>>) src(%dma_wait3A_93 : memref<16384x2048xf32, #tpu.memory_space<hbm>>) dst(%arg8 : memref<8x2048xf32, #tpu.memory_space<vmem>>)
      %mul3A_94 = arith.constant 8 : i32
      %mul3A_95 = arith.muli %add3A_81, %mul3A_94 : i32
      %add3A_96 = arith.addi %mul3A_2, %mul3A_95 : i32
      %dma_start3A_97 = arith.constant 0 : i32
      %dma_start3A_98 = tpu.memref_slice %arg4[%add3A_96, %dma_start3A_97] : memref<32768x2048xf32, #tpu.memory_space<hbm>> -> memref<8x2048xf32, #tpu.memory_space<hbm>>
      %dma_start3A_99 = arith.constant 0 : i32
      %dma_start3A_100 = tpu.memref_slice %arg4[%add3A_96, %dma_start3A_99] : memref<32768x2048xf32, #tpu.memory_space<hbm>> -> memref<8x2048xf32, #tpu.memory_space<hbm>>
      tpu.enqueue_dma source(%arg8 : memref<8x2048xf32, #tpu.memory_space<vmem>>) target(%dma_start3A_100 : memref<8x2048xf32, #tpu.memory_space<hbm>>) target_semaphore(%arg16 : memref<!tpu.dma_semaphore, #tpu.memory_space<semaphore_mem>>)
      %add3A_101 = arith.constant 3 : i32
      %add3A_102 = arith.addi %add3A_40, %add3A_101 : i32
      %add3A_103 = arith.constant 3 : i32
      %add3A_104 = arith.addi %add3A_102, %add3A_103 : i32
      %lt3A_105 = arith.constant 96 : i32
      %lt3A_106 = arith.cmpi slt, %add3A_104, %lt3A_105 : i32
      %convert_element_type3A_107 = arith.extui %lt3A_106 : i1 to i32
      %cond3A_108 = arith.constant 0 : i32
      %cond3A_109 = arith.cmpi ne, %convert_element_type3A_107, %cond3A_108 : i32
      scf.if %cond3A_109 {
        %add3A_122 = arith.constant 3 : i32
        %add3A_123 = arith.addi %add3A_102, %add3A_122 : i32
        %sub3A = arith.constant 4 : i32
        %sub3A_124 = arith.subi %add3A_123, %sub3A : i32
        %ge3A = arith.constant 0 : i32
        %ge3A_125 = arith.cmpi sge, %sub3A_124, %ge3A : i32
        %convert_element_type3A_126 = arith.extui %ge3A_125 : i1 to i32
        %cond3A_127 = arith.constant 0 : i32
        %cond3A_128 = arith.cmpi ne, %convert_element_type3A_126, %cond3A_127 : i32
        scf.if %cond3A_128 {
          %dma_wait3A_137 = arith.constant 0 : i32
          %dma_wait3A_138 = tpu.memref_slice %arg4[%mul3A_2, %dma_wait3A_137] : memref<32768x2048xf32, #tpu.memory_space<hbm>> -> memref<8x2048xf32, #tpu.memory_space<hbm>>
          %dma_wait3A_139 = arith.constant 0 : i32
          %dma_wait3A_140 = tpu.memref_slice %arg4[%mul3A_2, %dma_wait3A_139] : memref<32768x2048xf32, #tpu.memory_space<hbm>> -> memref<8x2048xf32, #tpu.memory_space<hbm>>
          tpu.wait_dma2 semaphore(%arg16 : memref<!tpu.dma_semaphore, #tpu.memory_space<semaphore_mem>>) src(%arg8 : memref<8x2048xf32, #tpu.memory_space<vmem>>) dst(%dma_wait3A_140 : memref<8x2048xf32, #tpu.memory_space<hbm>>)
        } else {
        }
        %add3A_129 = arith.constant 3 : i32
        %add3A_130 = arith.addi %add3A_102, %add3A_129 : i32
        %mul3A_131 = arith.constant 8 : i32
        %mul3A_132 = arith.muli %add3A_130, %mul3A_131 : i32
        %dma_start3A_133 = tpu.memref_slice %arg5[%mul3A_132] : memref<768xi32, #tpu.memory_space<vmem>> -> memref<8xi32, #tpu.memory_space<vmem>>
        %dma_start3A_134 = arith.constant 0 : i32
        %dma_start3A_135 = arith.constant 0 : i32
        %dma_start3A_136 = tpu.memref_slice %arg2[%dma_start3A_134, %dma_start3A_135] : memref<16384x2048xf32, #tpu.memory_space<hbm>> -> memref<16384x2048xf32, #tpu.memory_space<hbm>>
        tpu.enqueue_indirect_dma source(%dma_start3A_136 : memref<16384x2048xf32, #tpu.memory_space<hbm>>) target(%arg8 : memref<8x2048xf32, #tpu.memory_space<vmem>>) offsets(%dma_start3A_133 : memref<8xi32, #tpu.memory_space<vmem>>) semaphore(%arg12 : memref<!tpu.dma_semaphore, #tpu.memory_space<semaphore_mem>>)
      } else {
      }
      %dma_wait3A_110 = arith.constant 0 : i32
      %dma_wait3A_111 = tpu.memref_slice %arg5[%dma_wait3A_110] : memref<768xi32, #tpu.memory_space<vmem>> -> memref<8xi32, #tpu.memory_space<vmem>>
      %dma_wait3A_112 = arith.constant 0 : i32
      %dma_wait3A_113 = arith.constant 0 : i32
      %dma_wait3A_114 = tpu.memref_slice %arg2[%dma_wait3A_112, %dma_wait3A_113] : memref<16384x2048xf32, #tpu.memory_space<hbm>> -> memref<16384x2048xf32, #tpu.memory_space<hbm>>
      tpu.wait_indirect_dma semaphore(%arg13 : memref<!tpu.dma_semaphore, #tpu.memory_space<semaphore_mem>>) src(%dma_wait3A_114 : memref<16384x2048xf32, #tpu.memory_space<hbm>>) dst(%arg9 : memref<8x2048xf32, #tpu.memory_space<vmem>>)
      %mul3A_115 = arith.constant 8 : i32
      %mul3A_116 = arith.muli %add3A_102, %mul3A_115 : i32
      %add3A_117 = arith.addi %mul3A_2, %mul3A_116 : i32
      %dma_start3A_118 = arith.constant 0 : i32
      %dma_start3A_119 = tpu.memref_slice %arg4[%add3A_117, %dma_start3A_118] : memref<32768x2048xf32, #tpu.memory_space<hbm>> -> memref<8x2048xf32, #tpu.memory_space<hbm>>
      %dma_start3A_120 = arith.constant 0 : i32
      %dma_start3A_121 = tpu.memref_slice %arg4[%add3A_117, %dma_start3A_120] : memref<32768x2048xf32, #tpu.memory_space<hbm>> -> memref<8x2048xf32, #tpu.memory_space<hbm>>
      tpu.enqueue_dma source(%arg9 : memref<8x2048xf32, #tpu.memory_space<vmem>>) target(%dma_start3A_121 : memref<8x2048xf32, #tpu.memory_space<hbm>>) target_semaphore(%arg17 : memref<!tpu.dma_semaphore, #tpu.memory_space<semaphore_mem>>)
    }
    %scan3A_20 = arith.constant 24 : i32
    %dma_wait3A = arith.constant 0 : i32
    %dma_wait3A_21 = tpu.memref_slice %arg4[%mul3A_2, %dma_wait3A] : memref<32768x2048xf32, #tpu.memory_space<hbm>> -> memref<8x2048xf32, #tpu.memory_space<hbm>>
    %dma_wait3A_22 = arith.constant 0 : i32
    %dma_wait3A_23 = tpu.memref_slice %arg4[%mul3A_2, %dma_wait3A_22] : memref<32768x2048xf32, #tpu.memory_space<hbm>> -> memref<8x2048xf32, #tpu.memory_space<hbm>>
    tpu.wait_dma2 semaphore(%arg14 : memref<!tpu.dma_semaphore, #tpu.memory_space<semaphore_mem>>) src(%arg6 : memref<8x2048xf32, #tpu.memory_space<vmem>>) dst(%dma_wait3A_23 : memref<8x2048xf32, #tpu.memory_space<hbm>>)
    %dma_wait3A_24 = arith.constant 0 : i32
    %dma_wait3A_25 = tpu.memref_slice %arg4[%mul3A_2, %dma_wait3A_24] : memref<32768x2048xf32, #tpu.memory_space<hbm>> -> memref<8x2048xf32, #tpu.memory_space<hbm>>
    %dma_wait3A_26 = arith.constant 0 : i32
    %dma_wait3A_27 = tpu.memref_slice %arg4[%mul3A_2, %dma_wait3A_26] : memref<32768x2048xf32, #tpu.memory_space<hbm>> -> memref<8x2048xf32, #tpu.memory_space<hbm>>
    tpu.wait_dma2 semaphore(%arg15 : memref<!tpu.dma_semaphore, #tpu.memory_space<semaphore_mem>>) src(%arg7 : memref<8x2048xf32, #tpu.memory_space<vmem>>) dst(%dma_wait3A_27 : memref<8x2048xf32, #tpu.memory_space<hbm>>)
    %dma_wait3A_28 = arith.constant 0 : i32
    %dma_wait3A_29 = tpu.memref_slice %arg4[%mul3A_2, %dma_wait3A_28] : memref<32768x2048xf32, #tpu.memory_space<hbm>> -> memref<8x2048xf32, #tpu.memory_space<hbm>>
    %dma_wait3A_30 = arith.constant 0 : i32
    %dma_wait3A_31 = tpu.memref_slice %arg4[%mul3A_2, %dma_wait3A_30] : memref<32768x2048xf32, #tpu.memory_space<hbm>> -> memref<8x2048xf32, #tpu.memory_space<hbm>>
    tpu.wait_dma2 semaphore(%arg16 : memref<!tpu.dma_semaphore, #tpu.memory_space<semaphore_mem>>) src(%arg8 : memref<8x2048xf32, #tpu.memory_space<vmem>>) dst(%dma_wait3A_31 : memref<8x2048xf32, #tpu.memory_space<hbm>>)
    %dma_wait3A_32 = arith.constant 0 : i32
    %dma_wait3A_33 = tpu.memref_slice %arg4[%mul3A_2, %dma_wait3A_32] : memref<32768x2048xf32, #tpu.memory_space<hbm>> -> memref<8x2048xf32, #tpu.memory_space<hbm>>
    %dma_wait3A_34 = arith.constant 0 : i32
    %dma_wait3A_35 = tpu.memref_slice %arg4[%mul3A_2, %dma_wait3A_34] : memref<32768x2048xf32, #tpu.memory_space<hbm>> -> memref<8x2048xf32, #tpu.memory_space<hbm>>
    tpu.wait_dma2 semaphore(%arg17 : memref<!tpu.dma_semaphore, #tpu.memory_space<semaphore_mem>>) src(%arg9 : memref<8x2048xf32, #tpu.memory_space<vmem>>) dst(%dma_wait3A_35 : memref<8x2048xf32, #tpu.memory_space<hbm>>)
    return
  }
  func.func @scs_fn(%arg0: i32, %arg1: memref<16384x2048xf32, #tpu.memory_space<hbm>>, %arg2: memref<32768xi32, #tpu.memory_space<hbm>>, %arg3: memref<32768x2048xf32, #tpu.memory_space<hbm>>, %arg4: memref<768xi32, #tpu.memory_space<vmem, sc_vector_subcore>>, %arg5: memref<8x2048xf32, #tpu.memory_space<vmem, sc_vector_subcore>>, %arg6: memref<8x2048xf32, #tpu.memory_space<vmem, sc_vector_subcore>>, %arg7: memref<8x2048xf32, #tpu.memory_space<vmem, sc_vector_subcore>>, %arg8: memref<8x2048xf32, #tpu.memory_space<vmem, sc_vector_subcore>>, %arg9: memref<!tpu.dma_semaphore, #tpu.memory_space<semaphore_mem, sc_vector_subcore>>, %arg10: memref<!tpu.dma_semaphore, #tpu.memory_space<semaphore_mem, sc_vector_subcore>>, %arg11: memref<!tpu.dma_semaphore, #tpu.memory_space<semaphore_mem, sc_vector_subcore>>, %arg12: memref<!tpu.dma_semaphore, #tpu.memory_space<semaphore_mem, sc_vector_subcore>>, %arg13: memref<!tpu.dma_semaphore, #tpu.memory_space<semaphore_mem, sc_vector_subcore>>, %arg14: memref<!tpu.dma_semaphore, #tpu.memory_space<semaphore_mem, sc_vector_subcore>>, %arg15: memref<!tpu.dma_semaphore, #tpu.memory_space<semaphore_mem, sc_vector_subcore>>, %arg16: memref<!tpu.dma_semaphore, #tpu.memory_space<semaphore_mem, sc_vector_subcore>>, %arg17: memref<2x64x2048xf32, #tpu.memory_space<vmem_shared>>, %arg18: memref<2x64x2048xf32, #tpu.memory_space<vmem_shared>>, %arg19: memref<2x128xi32, #tpu.memory_space<smem>>, %arg20: memref<!tpu.dma_semaphore, #tpu.memory_space<semaphore_mem>>, %arg21: memref<!tpu.dma_semaphore, #tpu.memory_space<semaphore_mem>>, %arg22: memref<!tpu.dma_semaphore, #tpu.memory_space<semaphore_mem>>, %arg23: memref<!tpu.dma_semaphore, #tpu.memory_space<semaphore_mem>>, %arg24: memref<!tpu.dma_semaphore, #tpu.memory_space<semaphore_mem>>, %arg25: memref<!tpu.dma_semaphore, #tpu.memory_space<semaphore_mem>>) attributes {dimension_semantics = [#tpu.dimension_semantics<core_parallel>], iteration_bounds = array<i64: 2>, scalar_prefetch = 0 : i64, scratch_operands = 22 : i64, tpu.core_type = #tpu.core_type<sc_scalar_subcore>, window_params = [{transform_indices = #map2}, {transform_indices = #map3}, {transform_indices = #map2}]} {
    %mul3A = arith.constant 4096 : i32
    %mul3A_0 = arith.muli %arg0, %mul3A : i32
    %add3A = arith.constant 24576 : i32
    %add3A_1 = arith.addi %add3A, %mul3A_0 : i32
    %add3A_2 = arith.constant 0 : i32
    %add3A_3 = arith.addi %add3A_1, %add3A_2 : i32
    %dma_start3A = arith.constant 0 : i32
    %dma_start3A_4 = arith.constant 0 : i32
    %dma_start3A_5 = tpu.memref_slice %arg19[%dma_start3A, %dma_start3A_4] : memref<2x128xi32, #tpu.memory_space<smem>> -> memref<1x128xi32, #tpu.memory_space<smem>>
    %dma_start3A_6 = tpu.memref_squeeze %dma_start3A_5 : memref<1x128xi32, #tpu.memory_space<smem>> -> memref<128xi32, #tpu.memory_space<smem>>
    %dma_start3A_7 = tpu.memref_slice %arg2[%add3A_3] : memref<32768xi32, #tpu.memory_space<hbm>> -> memref<128xi32, #tpu.memory_space<hbm>>
    tpu.enqueue_dma source(%dma_start3A_7 : memref<128xi32, #tpu.memory_space<hbm>>) target(%dma_start3A_6 : memref<128xi32, #tpu.memory_space<smem>>) target_semaphore(%arg20 : memref<!tpu.dma_semaphore, #tpu.memory_space<semaphore_mem>>)
    %add3A_8 = arith.constant 128 : i32
    %add3A_9 = arith.addi %add3A_1, %add3A_8 : i32
    %dma_start3A_10 = arith.constant 1 : i32
    %dma_start3A_11 = arith.constant 0 : i32
    %dma_start3A_12 = tpu.memref_slice %arg19[%dma_start3A_10, %dma_start3A_11] : memref<2x128xi32, #tpu.memory_space<smem>> -> memref<1x128xi32, #tpu.memory_space<smem>>
    %dma_start3A_13 = tpu.memref_squeeze %dma_start3A_12 : memref<1x128xi32, #tpu.memory_space<smem>> -> memref<128xi32, #tpu.memory_space<smem>>
    %dma_start3A_14 = tpu.memref_slice %arg2[%add3A_9] : memref<32768xi32, #tpu.memory_space<hbm>> -> memref<128xi32, #tpu.memory_space<hbm>>
    tpu.enqueue_dma source(%dma_start3A_14 : memref<128xi32, #tpu.memory_space<hbm>>) target(%dma_start3A_13 : memref<128xi32, #tpu.memory_space<smem>>) target_semaphore(%arg21 : memref<!tpu.dma_semaphore, #tpu.memory_space<semaphore_mem>>)
    %scan3A = arith.constant 0 : i32
    %scan3A_15 = arith.constant 16 : i32
    %scan3A_16 = arith.addi %scan3A, %scan3A_15 : i32
    %scan3A_17 = arith.constant 1 : i32
    scf.for %scan3A_30 = %scan3A to %scan3A_16 step %scan3A_17  : i32 {
      %mul3A_31 = arith.constant 2 : i32
      %mul3A_32 = arith.muli %scan3A_30, %mul3A_31 : i32
      %add3A_33 = arith.constant 0 : i32
      %add3A_34 = arith.addi %add3A_33, %mul3A_32 : i32
      %add3A_35 = arith.constant 0 : i32
      %add3A_36 = arith.addi %add3A_34, %add3A_35 : i32
      %dma_wait3A_37 = arith.constant 0 : i32
      %dma_wait3A_38 = arith.constant 0 : i32
      %dma_wait3A_39 = tpu.memref_slice %arg19[%dma_wait3A_37, %dma_wait3A_38] : memref<2x128xi32, #tpu.memory_space<smem>> -> memref<1x128xi32, #tpu.memory_space<smem>>
      %dma_wait3A_40 = tpu.memref_squeeze %dma_wait3A_39 : memref<1x128xi32, #tpu.memory_space<smem>> -> memref<128xi32, #tpu.memory_space<smem>>
      %dma_wait3A_41 = tpu.memref_slice %arg2[%add3A_1] : memref<32768xi32, #tpu.memory_space<hbm>> -> memref<128xi32, #tpu.memory_space<hbm>>
      tpu.wait_dma2 semaphore(%arg20 : memref<!tpu.dma_semaphore, #tpu.memory_space<semaphore_mem>>) src(%dma_wait3A_41 : memref<128xi32, #tpu.memory_space<hbm>>) dst(%dma_wait3A_40 : memref<128xi32, #tpu.memory_space<smem>>)
      %mul3A_42 = arith.constant 2 : i32
      %mul3A_43 = arith.muli %mul3A_42, %add3A_36 : i32
      %add3A_44 = arith.constant 0 : i32
      %add3A_45 = arith.addi %mul3A_43, %add3A_44 : i32
      %ge3A = arith.constant 2 : i32
      %ge3A_46 = arith.cmpi sge, %add3A_45, %ge3A : i32
      %convert_element_type3A = arith.extui %ge3A_46 : i1 to i32
      %cond3A = arith.constant 0 : i32
      %cond3A_47 = arith.cmpi ne, %convert_element_type3A, %cond3A : i32
      scf.if %cond3A_47 {
        %dma_wait3A_179 = arith.constant 0 : i32
        %dma_wait3A_180 = tpu.memref_slice %arg3[%add3A_1, %dma_wait3A_179] : memref<32768x2048xf32, #tpu.memory_space<hbm>> -> memref<64x2048xf32, #tpu.memory_space<hbm>>
        %dma_wait3A_181 = arith.constant 0 : i32
        %dma_wait3A_182 = arith.constant 0 : i32
        %dma_wait3A_183 = tpu.memref_slice %arg17[%arg0, %dma_wait3A_181, %dma_wait3A_182] : memref<2x64x2048xf32, #tpu.memory_space<vmem_shared>> -> memref<1x64x2048xf32, #tpu.memory_space<vmem_shared>>
        %dma_wait3A_184 = tpu.memref_squeeze %dma_wait3A_183 : memref<1x64x2048xf32, #tpu.memory_space<vmem_shared>> -> memref<64x2048xf32, #tpu.memory_space<vmem_shared>>
        tpu.wait_dma2 semaphore(%arg24 : memref<!tpu.dma_semaphore, #tpu.memory_space<semaphore_mem>>) src(%dma_wait3A_184 : memref<64x2048xf32, #tpu.memory_space<vmem_shared>>) dst(%dma_wait3A_180 : memref<64x2048xf32, #tpu.memory_space<hbm>>)
      } else {
      }
      %scan3A_48 = arith.constant 0 : i32
      %scan3A_49 = arith.constant 64 : i32
      %scan3A_50 = arith.addi %scan3A_48, %scan3A_49 : i32
      %scan3A_51 = arith.constant 1 : i32
      scf.for %scan3A_179 = %scan3A_48 to %scan3A_50 step %scan3A_51  : i32 {
        %mul3A_180 = arith.constant 1 : i32
        %mul3A_181 = arith.muli %scan3A_179, %mul3A_180 : i32
        %add3A_182 = arith.constant 0 : i32
        %add3A_183 = arith.addi %add3A_182, %mul3A_181 : i32
        %add3A_184 = arith.constant 0 : i32
        %add3A_185 = arith.addi %add3A_184, %add3A_183 : i32
        %get3A = arith.constant 0 : i32
        %get3A_186 = arith.index_cast %get3A : i32 to index
        %get3A_187 = arith.index_cast %add3A_185 : i32 to index
        %get3A_188 = memref.load %arg19[%get3A_186, %get3A_187] : memref<2x128xi32, #tpu.memory_space<smem>>
        %dma_start3A_189 = arith.constant 0 : i32
        %dma_start3A_190 = tpu.memref_slice %arg17[%arg0, %add3A_183, %dma_start3A_189] : memref<2x64x2048xf32, #tpu.memory_space<vmem_shared>> -> memref<1x1x2048xf32, #tpu.memory_space<vmem_shared>>
        %dma_start3A_191 = tpu.memref_squeeze %dma_start3A_190 : memref<1x1x2048xf32, #tpu.memory_space<vmem_shared>> -> memref<1x2048xf32, #tpu.memory_space<vmem_shared>>
        %dma_start3A_192 = arith.constant 0 : i32
        %dma_start3A_193 = tpu.memref_slice %arg1[%get3A_188, %dma_start3A_192] : memref<16384x2048xf32, #tpu.memory_space<hbm>> -> memref<1x2048xf32, #tpu.memory_space<hbm>>
        tpu.enqueue_dma source(%dma_start3A_193 : memref<1x2048xf32, #tpu.memory_space<hbm>>) target(%dma_start3A_191 : memref<1x2048xf32, #tpu.memory_space<vmem_shared>>) target_semaphore(%arg22 : memref<!tpu.dma_semaphore, #tpu.memory_space<semaphore_mem>>)
      }
      %scan3A_52 = arith.constant 64 : i32
      %dma_wait3A_53 = arith.constant 0 : i32
      %dma_wait3A_54 = arith.constant 0 : i32
      %dma_wait3A_55 = tpu.memref_slice %arg17[%arg0, %dma_wait3A_53, %dma_wait3A_54] : memref<2x64x2048xf32, #tpu.memory_space<vmem_shared>> -> memref<1x64x2048xf32, #tpu.memory_space<vmem_shared>>
      %dma_wait3A_56 = tpu.memref_squeeze %dma_wait3A_55 : memref<1x64x2048xf32, #tpu.memory_space<vmem_shared>> -> memref<64x2048xf32, #tpu.memory_space<vmem_shared>>
      %dma_wait3A_57 = arith.constant 0 : i32
      %dma_wait3A_58 = arith.constant 0 : i32
      %dma_wait3A_59 = tpu.memref_slice %arg1[%dma_wait3A_57, %dma_wait3A_58] : memref<16384x2048xf32, #tpu.memory_space<hbm>> -> memref<64x2048xf32, #tpu.memory_space<hbm>>
      tpu.wait_dma2 semaphore(%arg22 : memref<!tpu.dma_semaphore, #tpu.memory_space<semaphore_mem>>) src(%dma_wait3A_59 : memref<64x2048xf32, #tpu.memory_space<hbm>>) dst(%dma_wait3A_56 : memref<64x2048xf32, #tpu.memory_space<vmem_shared>>)
      %mul3A_60 = arith.constant 64 : i32
      %mul3A_61 = arith.muli %add3A_45, %mul3A_60 : i32
      %add3A_62 = arith.addi %add3A_1, %mul3A_61 : i32
      %dma_start3A_63 = arith.constant 0 : i32
      %dma_start3A_64 = tpu.memref_slice %arg3[%add3A_62, %dma_start3A_63] : memref<32768x2048xf32, #tpu.memory_space<hbm>> -> memref<64x2048xf32, #tpu.memory_space<hbm>>
      %dma_start3A_65 = arith.constant 0 : i32
      %dma_start3A_66 = arith.constant 0 : i32
      %dma_start3A_67 = tpu.memref_slice %arg17[%arg0, %dma_start3A_65, %dma_start3A_66] : memref<2x64x2048xf32, #tpu.memory_space<vmem_shared>> -> memref<1x64x2048xf32, #tpu.memory_space<vmem_shared>>
      %dma_start3A_68 = tpu.memref_squeeze %dma_start3A_67 : memref<1x64x2048xf32, #tpu.memory_space<vmem_shared>> -> memref<64x2048xf32, #tpu.memory_space<vmem_shared>>
      tpu.enqueue_dma source(%dma_start3A_68 : memref<64x2048xf32, #tpu.memory_space<vmem_shared>>) target(%dma_start3A_64 : memref<64x2048xf32, #tpu.memory_space<hbm>>) target_semaphore(%arg24 : memref<!tpu.dma_semaphore, #tpu.memory_space<semaphore_mem>>)
      %mul3A_69 = arith.constant 2 : i32
      %mul3A_70 = arith.muli %mul3A_69, %add3A_36 : i32
      %add3A_71 = arith.constant 1 : i32
      %add3A_72 = arith.addi %mul3A_70, %add3A_71 : i32
      %ge3A_73 = arith.constant 2 : i32
      %ge3A_74 = arith.cmpi sge, %add3A_72, %ge3A_73 : i32
      %convert_element_type3A_75 = arith.extui %ge3A_74 : i1 to i32
      %cond3A_76 = arith.constant 0 : i32
      %cond3A_77 = arith.cmpi ne, %convert_element_type3A_75, %cond3A_76 : i32
      scf.if %cond3A_77 {
        %dma_wait3A_179 = arith.constant 0 : i32
        %dma_wait3A_180 = tpu.memref_slice %arg3[%add3A_1, %dma_wait3A_179] : memref<32768x2048xf32, #tpu.memory_space<hbm>> -> memref<64x2048xf32, #tpu.memory_space<hbm>>
        %dma_wait3A_181 = arith.constant 0 : i32
        %dma_wait3A_182 = arith.constant 0 : i32
        %dma_wait3A_183 = tpu.memref_slice %arg18[%arg0, %dma_wait3A_181, %dma_wait3A_182] : memref<2x64x2048xf32, #tpu.memory_space<vmem_shared>> -> memref<1x64x2048xf32, #tpu.memory_space<vmem_shared>>
        %dma_wait3A_184 = tpu.memref_squeeze %dma_wait3A_183 : memref<1x64x2048xf32, #tpu.memory_space<vmem_shared>> -> memref<64x2048xf32, #tpu.memory_space<vmem_shared>>
        tpu.wait_dma2 semaphore(%arg25 : memref<!tpu.dma_semaphore, #tpu.memory_space<semaphore_mem>>) src(%dma_wait3A_184 : memref<64x2048xf32, #tpu.memory_space<vmem_shared>>) dst(%dma_wait3A_180 : memref<64x2048xf32, #tpu.memory_space<hbm>>)
      } else {
      }
      %scan3A_78 = arith.constant 0 : i32
      %scan3A_79 = arith.constant 64 : i32
      %scan3A_80 = arith.addi %scan3A_78, %scan3A_79 : i32
      %scan3A_81 = arith.constant 1 : i32
      scf.for %scan3A_179 = %scan3A_78 to %scan3A_80 step %scan3A_81  : i32 {
        %mul3A_180 = arith.constant 1 : i32
        %mul3A_181 = arith.muli %scan3A_179, %mul3A_180 : i32
        %add3A_182 = arith.constant 0 : i32
        %add3A_183 = arith.addi %add3A_182, %mul3A_181 : i32
        %add3A_184 = arith.constant 64 : i32
        %add3A_185 = arith.addi %add3A_184, %add3A_183 : i32
        %get3A = arith.constant 0 : i32
        %get3A_186 = arith.index_cast %get3A : i32 to index
        %get3A_187 = arith.index_cast %add3A_185 : i32 to index
        %get3A_188 = memref.load %arg19[%get3A_186, %get3A_187] : memref<2x128xi32, #tpu.memory_space<smem>>
        %dma_start3A_189 = arith.constant 0 : i32
        %dma_start3A_190 = tpu.memref_slice %arg18[%arg0, %add3A_183, %dma_start3A_189] : memref<2x64x2048xf32, #tpu.memory_space<vmem_shared>> -> memref<1x1x2048xf32, #tpu.memory_space<vmem_shared>>
        %dma_start3A_191 = tpu.memref_squeeze %dma_start3A_190 : memref<1x1x2048xf32, #tpu.memory_space<vmem_shared>> -> memref<1x2048xf32, #tpu.memory_space<vmem_shared>>
        %dma_start3A_192 = arith.constant 0 : i32
        %dma_start3A_193 = tpu.memref_slice %arg1[%get3A_188, %dma_start3A_192] : memref<16384x2048xf32, #tpu.memory_space<hbm>> -> memref<1x2048xf32, #tpu.memory_space<hbm>>
        tpu.enqueue_dma source(%dma_start3A_193 : memref<1x2048xf32, #tpu.memory_space<hbm>>) target(%dma_start3A_191 : memref<1x2048xf32, #tpu.memory_space<vmem_shared>>) target_semaphore(%arg23 : memref<!tpu.dma_semaphore, #tpu.memory_space<semaphore_mem>>)
      }
      %scan3A_82 = arith.constant 64 : i32
      %dma_wait3A_83 = arith.constant 0 : i32
      %dma_wait3A_84 = arith.constant 0 : i32
      %dma_wait3A_85 = tpu.memref_slice %arg18[%arg0, %dma_wait3A_83, %dma_wait3A_84] : memref<2x64x2048xf32, #tpu.memory_space<vmem_shared>> -> memref<1x64x2048xf32, #tpu.memory_space<vmem_shared>>
      %dma_wait3A_86 = tpu.memref_squeeze %dma_wait3A_85 : memref<1x64x2048xf32, #tpu.memory_space<vmem_shared>> -> memref<64x2048xf32, #tpu.memory_space<vmem_shared>>
      %dma_wait3A_87 = arith.constant 0 : i32
      %dma_wait3A_88 = arith.constant 0 : i32
      %dma_wait3A_89 = tpu.memref_slice %arg1[%dma_wait3A_87, %dma_wait3A_88] : memref<16384x2048xf32, #tpu.memory_space<hbm>> -> memref<64x2048xf32, #tpu.memory_space<hbm>>
      tpu.wait_dma2 semaphore(%arg23 : memref<!tpu.dma_semaphore, #tpu.memory_space<semaphore_mem>>) src(%dma_wait3A_89 : memref<64x2048xf32, #tpu.memory_space<hbm>>) dst(%dma_wait3A_86 : memref<64x2048xf32, #tpu.memory_space<vmem_shared>>)
      %mul3A_90 = arith.constant 64 : i32
      %mul3A_91 = arith.muli %add3A_72, %mul3A_90 : i32
      %add3A_92 = arith.addi %add3A_1, %mul3A_91 : i32
      %dma_start3A_93 = arith.constant 0 : i32
      %dma_start3A_94 = tpu.memref_slice %arg3[%add3A_92, %dma_start3A_93] : memref<32768x2048xf32, #tpu.memory_space<hbm>> -> memref<64x2048xf32, #tpu.memory_space<hbm>>
      %dma_start3A_95 = arith.constant 0 : i32
      %dma_start3A_96 = arith.constant 0 : i32
      %dma_start3A_97 = tpu.memref_slice %arg18[%arg0, %dma_start3A_95, %dma_start3A_96] : memref<2x64x2048xf32, #tpu.memory_space<vmem_shared>> -> memref<1x64x2048xf32, #tpu.memory_space<vmem_shared>>
      %dma_start3A_98 = tpu.memref_squeeze %dma_start3A_97 : memref<1x64x2048xf32, #tpu.memory_space<vmem_shared>> -> memref<64x2048xf32, #tpu.memory_space<vmem_shared>>
      tpu.enqueue_dma source(%dma_start3A_98 : memref<64x2048xf32, #tpu.memory_space<vmem_shared>>) target(%dma_start3A_94 : memref<64x2048xf32, #tpu.memory_space<hbm>>) target_semaphore(%arg25 : memref<!tpu.dma_semaphore, #tpu.memory_space<semaphore_mem>>)
      %add3A_99 = arith.constant 2 : i32
      %add3A_100 = arith.addi %add3A_36, %add3A_99 : i32
      %lt3A = arith.constant 32 : i32
      %lt3A_101 = arith.cmpi slt, %add3A_100, %lt3A : i32
      %convert_element_type3A_102 = arith.extui %lt3A_101 : i1 to i32
      %cond3A_103 = arith.constant 0 : i32
      %cond3A_104 = arith.cmpi ne, %convert_element_type3A_102, %cond3A_103 : i32
      scf.if %cond3A_104 {
        %add3A_179 = arith.constant 2 : i32
        %add3A_180 = arith.addi %add3A_36, %add3A_179 : i32
        %mul3A_181 = arith.constant 128 : i32
        %mul3A_182 = arith.muli %add3A_180, %mul3A_181 : i32
        %add3A_183 = arith.addi %add3A_1, %mul3A_182 : i32
        %dma_start3A_184 = arith.constant 0 : i32
        %dma_start3A_185 = arith.constant 0 : i32
        %dma_start3A_186 = tpu.memref_slice %arg19[%dma_start3A_184, %dma_start3A_185] : memref<2x128xi32, #tpu.memory_space<smem>> -> memref<1x128xi32, #tpu.memory_space<smem>>
        %dma_start3A_187 = tpu.memref_squeeze %dma_start3A_186 : memref<1x128xi32, #tpu.memory_space<smem>> -> memref<128xi32, #tpu.memory_space<smem>>
        %dma_start3A_188 = tpu.memref_slice %arg2[%add3A_183] : memref<32768xi32, #tpu.memory_space<hbm>> -> memref<128xi32, #tpu.memory_space<hbm>>
        tpu.enqueue_dma source(%dma_start3A_188 : memref<128xi32, #tpu.memory_space<hbm>>) target(%dma_start3A_187 : memref<128xi32, #tpu.memory_space<smem>>) target_semaphore(%arg20 : memref<!tpu.dma_semaphore, #tpu.memory_space<semaphore_mem>>)
      } else {
      }
      %add3A_105 = arith.constant 1 : i32
      %add3A_106 = arith.addi %add3A_34, %add3A_105 : i32
      %dma_wait3A_107 = arith.constant 1 : i32
      %dma_wait3A_108 = arith.constant 0 : i32
      %dma_wait3A_109 = tpu.memref_slice %arg19[%dma_wait3A_107, %dma_wait3A_108] : memref<2x128xi32, #tpu.memory_space<smem>> -> memref<1x128xi32, #tpu.memory_space<smem>>
      %dma_wait3A_110 = tpu.memref_squeeze %dma_wait3A_109 : memref<1x128xi32, #tpu.memory_space<smem>> -> memref<128xi32, #tpu.memory_space<smem>>
      %dma_wait3A_111 = tpu.memref_slice %arg2[%add3A_1] : memref<32768xi32, #tpu.memory_space<hbm>> -> memref<128xi32, #tpu.memory_space<hbm>>
      tpu.wait_dma2 semaphore(%arg21 : memref<!tpu.dma_semaphore, #tpu.memory_space<semaphore_mem>>) src(%dma_wait3A_111 : memref<128xi32, #tpu.memory_space<hbm>>) dst(%dma_wait3A_110 : memref<128xi32, #tpu.memory_space<smem>>)
      %mul3A_112 = arith.constant 2 : i32
      %mul3A_113 = arith.muli %mul3A_112, %add3A_106 : i32
      %add3A_114 = arith.constant 0 : i32
      %add3A_115 = arith.addi %mul3A_113, %add3A_114 : i32
      %ge3A_116 = arith.constant 2 : i32
      %ge3A_117 = arith.cmpi sge, %add3A_115, %ge3A_116 : i32
      %convert_element_type3A_118 = arith.extui %ge3A_117 : i1 to i32
      %cond3A_119 = arith.constant 0 : i32
      %cond3A_120 = arith.cmpi ne, %convert_element_type3A_118, %cond3A_119 : i32
      scf.if %cond3A_120 {
        %dma_wait3A_179 = arith.constant 0 : i32
        %dma_wait3A_180 = tpu.memref_slice %arg3[%add3A_1, %dma_wait3A_179] : memref<32768x2048xf32, #tpu.memory_space<hbm>> -> memref<64x2048xf32, #tpu.memory_space<hbm>>
        %dma_wait3A_181 = arith.constant 0 : i32
        %dma_wait3A_182 = arith.constant 0 : i32
        %dma_wait3A_183 = tpu.memref_slice %arg17[%arg0, %dma_wait3A_181, %dma_wait3A_182] : memref<2x64x2048xf32, #tpu.memory_space<vmem_shared>> -> memref<1x64x2048xf32, #tpu.memory_space<vmem_shared>>
        %dma_wait3A_184 = tpu.memref_squeeze %dma_wait3A_183 : memref<1x64x2048xf32, #tpu.memory_space<vmem_shared>> -> memref<64x2048xf32, #tpu.memory_space<vmem_shared>>
        tpu.wait_dma2 semaphore(%arg24 : memref<!tpu.dma_semaphore, #tpu.memory_space<semaphore_mem>>) src(%dma_wait3A_184 : memref<64x2048xf32, #tpu.memory_space<vmem_shared>>) dst(%dma_wait3A_180 : memref<64x2048xf32, #tpu.memory_space<hbm>>)
      } else {
      }
      %scan3A_121 = arith.constant 0 : i32
      %scan3A_122 = arith.constant 64 : i32
      %scan3A_123 = arith.addi %scan3A_121, %scan3A_122 : i32
      %scan3A_124 = arith.constant 1 : i32
      scf.for %scan3A_179 = %scan3A_121 to %scan3A_123 step %scan3A_124  : i32 {
        %mul3A_180 = arith.constant 1 : i32
        %mul3A_181 = arith.muli %scan3A_179, %mul3A_180 : i32
        %add3A_182 = arith.constant 0 : i32
        %add3A_183 = arith.addi %add3A_182, %mul3A_181 : i32
        %add3A_184 = arith.constant 0 : i32
        %add3A_185 = arith.addi %add3A_184, %add3A_183 : i32
        %get3A = arith.constant 1 : i32
        %get3A_186 = arith.index_cast %get3A : i32 to index
        %get3A_187 = arith.index_cast %add3A_185 : i32 to index
        %get3A_188 = memref.load %arg19[%get3A_186, %get3A_187] : memref<2x128xi32, #tpu.memory_space<smem>>
        %dma_start3A_189 = arith.constant 0 : i32
        %dma_start3A_190 = tpu.memref_slice %arg17[%arg0, %add3A_183, %dma_start3A_189] : memref<2x64x2048xf32, #tpu.memory_space<vmem_shared>> -> memref<1x1x2048xf32, #tpu.memory_space<vmem_shared>>
        %dma_start3A_191 = tpu.memref_squeeze %dma_start3A_190 : memref<1x1x2048xf32, #tpu.memory_space<vmem_shared>> -> memref<1x2048xf32, #tpu.memory_space<vmem_shared>>
        %dma_start3A_192 = arith.constant 0 : i32
        %dma_start3A_193 = tpu.memref_slice %arg1[%get3A_188, %dma_start3A_192] : memref<16384x2048xf32, #tpu.memory_space<hbm>> -> memref<1x2048xf32, #tpu.memory_space<hbm>>
        tpu.enqueue_dma source(%dma_start3A_193 : memref<1x2048xf32, #tpu.memory_space<hbm>>) target(%dma_start3A_191 : memref<1x2048xf32, #tpu.memory_space<vmem_shared>>) target_semaphore(%arg22 : memref<!tpu.dma_semaphore, #tpu.memory_space<semaphore_mem>>)
      }
      %scan3A_125 = arith.constant 64 : i32
      %dma_wait3A_126 = arith.constant 0 : i32
      %dma_wait3A_127 = arith.constant 0 : i32
      %dma_wait3A_128 = tpu.memref_slice %arg17[%arg0, %dma_wait3A_126, %dma_wait3A_127] : memref<2x64x2048xf32, #tpu.memory_space<vmem_shared>> -> memref<1x64x2048xf32, #tpu.memory_space<vmem_shared>>
      %dma_wait3A_129 = tpu.memref_squeeze %dma_wait3A_128 : memref<1x64x2048xf32, #tpu.memory_space<vmem_shared>> -> memref<64x2048xf32, #tpu.memory_space<vmem_shared>>
      %dma_wait3A_130 = arith.constant 0 : i32
      %dma_wait3A_131 = arith.constant 0 : i32
      %dma_wait3A_132 = tpu.memref_slice %arg1[%dma_wait3A_130, %dma_wait3A_131] : memref<16384x2048xf32, #tpu.memory_space<hbm>> -> memref<64x2048xf32, #tpu.memory_space<hbm>>
      tpu.wait_dma2 semaphore(%arg22 : memref<!tpu.dma_semaphore, #tpu.memory_space<semaphore_mem>>) src(%dma_wait3A_132 : memref<64x2048xf32, #tpu.memory_space<hbm>>) dst(%dma_wait3A_129 : memref<64x2048xf32, #tpu.memory_space<vmem_shared>>)
      %mul3A_133 = arith.constant 64 : i32
      %mul3A_134 = arith.muli %add3A_115, %mul3A_133 : i32
      %add3A_135 = arith.addi %add3A_1, %mul3A_134 : i32
      %dma_start3A_136 = arith.constant 0 : i32
      %dma_start3A_137 = tpu.memref_slice %arg3[%add3A_135, %dma_start3A_136] : memref<32768x2048xf32, #tpu.memory_space<hbm>> -> memref<64x2048xf32, #tpu.memory_space<hbm>>
      %dma_start3A_138 = arith.constant 0 : i32
      %dma_start3A_139 = arith.constant 0 : i32
      %dma_start3A_140 = tpu.memref_slice %arg17[%arg0, %dma_start3A_138, %dma_start3A_139] : memref<2x64x2048xf32, #tpu.memory_space<vmem_shared>> -> memref<1x64x2048xf32, #tpu.memory_space<vmem_shared>>
      %dma_start3A_141 = tpu.memref_squeeze %dma_start3A_140 : memref<1x64x2048xf32, #tpu.memory_space<vmem_shared>> -> memref<64x2048xf32, #tpu.memory_space<vmem_shared>>
      tpu.enqueue_dma source(%dma_start3A_141 : memref<64x2048xf32, #tpu.memory_space<vmem_shared>>) target(%dma_start3A_137 : memref<64x2048xf32, #tpu.memory_space<hbm>>) target_semaphore(%arg24 : memref<!tpu.dma_semaphore, #tpu.memory_space<semaphore_mem>>)
      %mul3A_142 = arith.constant 2 : i32
      %mul3A_143 = arith.muli %mul3A_142, %add3A_106 : i32
      %add3A_144 = arith.constant 1 : i32
      %add3A_145 = arith.addi %mul3A_143, %add3A_144 : i32
      %ge3A_146 = arith.constant 2 : i32
      %ge3A_147 = arith.cmpi sge, %add3A_145, %ge3A_146 : i32
      %convert_element_type3A_148 = arith.extui %ge3A_147 : i1 to i32
      %cond3A_149 = arith.constant 0 : i32
      %cond3A_150 = arith.cmpi ne, %convert_element_type3A_148, %cond3A_149 : i32
      scf.if %cond3A_150 {
        %dma_wait3A_179 = arith.constant 0 : i32
        %dma_wait3A_180 = tpu.memref_slice %arg3[%add3A_1, %dma_wait3A_179] : memref<32768x2048xf32, #tpu.memory_space<hbm>> -> memref<64x2048xf32, #tpu.memory_space<hbm>>
        %dma_wait3A_181 = arith.constant 0 : i32
        %dma_wait3A_182 = arith.constant 0 : i32
        %dma_wait3A_183 = tpu.memref_slice %arg18[%arg0, %dma_wait3A_181, %dma_wait3A_182] : memref<2x64x2048xf32, #tpu.memory_space<vmem_shared>> -> memref<1x64x2048xf32, #tpu.memory_space<vmem_shared>>
        %dma_wait3A_184 = tpu.memref_squeeze %dma_wait3A_183 : memref<1x64x2048xf32, #tpu.memory_space<vmem_shared>> -> memref<64x2048xf32, #tpu.memory_space<vmem_shared>>
        tpu.wait_dma2 semaphore(%arg25 : memref<!tpu.dma_semaphore, #tpu.memory_space<semaphore_mem>>) src(%dma_wait3A_184 : memref<64x2048xf32, #tpu.memory_space<vmem_shared>>) dst(%dma_wait3A_180 : memref<64x2048xf32, #tpu.memory_space<hbm>>)
      } else {
      }
      %scan3A_151 = arith.constant 0 : i32
      %scan3A_152 = arith.constant 64 : i32
      %scan3A_153 = arith.addi %scan3A_151, %scan3A_152 : i32
      %scan3A_154 = arith.constant 1 : i32
      scf.for %scan3A_179 = %scan3A_151 to %scan3A_153 step %scan3A_154  : i32 {
        %mul3A_180 = arith.constant 1 : i32
        %mul3A_181 = arith.muli %scan3A_179, %mul3A_180 : i32
        %add3A_182 = arith.constant 0 : i32
        %add3A_183 = arith.addi %add3A_182, %mul3A_181 : i32
        %add3A_184 = arith.constant 64 : i32
        %add3A_185 = arith.addi %add3A_184, %add3A_183 : i32
        %get3A = arith.constant 1 : i32
        %get3A_186 = arith.index_cast %get3A : i32 to index
        %get3A_187 = arith.index_cast %add3A_185 : i32 to index
        %get3A_188 = memref.load %arg19[%get3A_186, %get3A_187] : memref<2x128xi32, #tpu.memory_space<smem>>
        %dma_start3A_189 = arith.constant 0 : i32
        %dma_start3A_190 = tpu.memref_slice %arg18[%arg0, %add3A_183, %dma_start3A_189] : memref<2x64x2048xf32, #tpu.memory_space<vmem_shared>> -> memref<1x1x2048xf32, #tpu.memory_space<vmem_shared>>
        %dma_start3A_191 = tpu.memref_squeeze %dma_start3A_190 : memref<1x1x2048xf32, #tpu.memory_space<vmem_shared>> -> memref<1x2048xf32, #tpu.memory_space<vmem_shared>>
        %dma_start3A_192 = arith.constant 0 : i32
        %dma_start3A_193 = tpu.memref_slice %arg1[%get3A_188, %dma_start3A_192] : memref<16384x2048xf32, #tpu.memory_space<hbm>> -> memref<1x2048xf32, #tpu.memory_space<hbm>>
        tpu.enqueue_dma source(%dma_start3A_193 : memref<1x2048xf32, #tpu.memory_space<hbm>>) target(%dma_start3A_191 : memref<1x2048xf32, #tpu.memory_space<vmem_shared>>) target_semaphore(%arg23 : memref<!tpu.dma_semaphore, #tpu.memory_space<semaphore_mem>>)
      }
      %scan3A_155 = arith.constant 64 : i32
      %dma_wait3A_156 = arith.constant 0 : i32
      %dma_wait3A_157 = arith.constant 0 : i32
      %dma_wait3A_158 = tpu.memref_slice %arg18[%arg0, %dma_wait3A_156, %dma_wait3A_157] : memref<2x64x2048xf32, #tpu.memory_space<vmem_shared>> -> memref<1x64x2048xf32, #tpu.memory_space<vmem_shared>>
      %dma_wait3A_159 = tpu.memref_squeeze %dma_wait3A_158 : memref<1x64x2048xf32, #tpu.memory_space<vmem_shared>> -> memref<64x2048xf32, #tpu.memory_space<vmem_shared>>
      %dma_wait3A_160 = arith.constant 0 : i32
      %dma_wait3A_161 = arith.constant 0 : i32
      %dma_wait3A_162 = tpu.memref_slice %arg1[%dma_wait3A_160, %dma_wait3A_161] : memref<16384x2048xf32, #tpu.memory_space<hbm>> -> memref<64x2048xf32, #tpu.memory_space<hbm>>
      tpu.wait_dma2 semaphore(%arg23 : memref<!tpu.dma_semaphore, #tpu.memory_space<semaphore_mem>>) src(%dma_wait3A_162 : memref<64x2048xf32, #tpu.memory_space<hbm>>) dst(%dma_wait3A_159 : memref<64x2048xf32, #tpu.memory_space<vmem_shared>>)
      %mul3A_163 = arith.constant 64 : i32
      %mul3A_164 = arith.muli %add3A_145, %mul3A_163 : i32
      %add3A_165 = arith.addi %add3A_1, %mul3A_164 : i32
      %dma_start3A_166 = arith.constant 0 : i32
      %dma_start3A_167 = tpu.memref_slice %arg3[%add3A_165, %dma_start3A_166] : memref<32768x2048xf32, #tpu.memory_space<hbm>> -> memref<64x2048xf32, #tpu.memory_space<hbm>>
      %dma_start3A_168 = arith.constant 0 : i32
      %dma_start3A_169 = arith.constant 0 : i32
      %dma_start3A_170 = tpu.memref_slice %arg18[%arg0, %dma_start3A_168, %dma_start3A_169] : memref<2x64x2048xf32, #tpu.memory_space<vmem_shared>> -> memref<1x64x2048xf32, #tpu.memory_space<vmem_shared>>
      %dma_start3A_171 = tpu.memref_squeeze %dma_start3A_170 : memref<1x64x2048xf32, #tpu.memory_space<vmem_shared>> -> memref<64x2048xf32, #tpu.memory_space<vmem_shared>>
      tpu.enqueue_dma source(%dma_start3A_171 : memref<64x2048xf32, #tpu.memory_space<vmem_shared>>) target(%dma_start3A_167 : memref<64x2048xf32, #tpu.memory_space<hbm>>) target_semaphore(%arg25 : memref<!tpu.dma_semaphore, #tpu.memory_space<semaphore_mem>>)
      %add3A_172 = arith.constant 2 : i32
      %add3A_173 = arith.addi %add3A_106, %add3A_172 : i32
      %lt3A_174 = arith.constant 32 : i32
      %lt3A_175 = arith.cmpi slt, %add3A_173, %lt3A_174 : i32
      %convert_element_type3A_176 = arith.extui %lt3A_175 : i1 to i32
      %cond3A_177 = arith.constant 0 : i32
      %cond3A_178 = arith.cmpi ne, %convert_element_type3A_176, %cond3A_177 : i32
      scf.if %cond3A_178 {
        %add3A_179 = arith.constant 2 : i32
        %add3A_180 = arith.addi %add3A_106, %add3A_179 : i32
        %mul3A_181 = arith.constant 128 : i32
        %mul3A_182 = arith.muli %add3A_180, %mul3A_181 : i32
        %add3A_183 = arith.addi %add3A_1, %mul3A_182 : i32
        %dma_start3A_184 = arith.constant 1 : i32
        %dma_start3A_185 = arith.constant 0 : i32
        %dma_start3A_186 = tpu.memref_slice %arg19[%dma_start3A_184, %dma_start3A_185] : memref<2x128xi32, #tpu.memory_space<smem>> -> memref<1x128xi32, #tpu.memory_space<smem>>
        %dma_start3A_187 = tpu.memref_squeeze %dma_start3A_186 : memref<1x128xi32, #tpu.memory_space<smem>> -> memref<128xi32, #tpu.memory_space<smem>>
        %dma_start3A_188 = tpu.memref_slice %arg2[%add3A_183] : memref<32768xi32, #tpu.memory_space<hbm>> -> memref<128xi32, #tpu.memory_space<hbm>>
        tpu.enqueue_dma source(%dma_start3A_188 : memref<128xi32, #tpu.memory_space<hbm>>) target(%dma_start3A_187 : memref<128xi32, #tpu.memory_space<smem>>) target_semaphore(%arg21 : memref<!tpu.dma_semaphore, #tpu.memory_space<semaphore_mem>>)
      } else {
      }
    }
    %scan3A_18 = arith.constant 16 : i32
    %dma_wait3A = arith.constant 0 : i32
    %dma_wait3A_19 = tpu.memref_slice %arg3[%add3A_1, %dma_wait3A] : memref<32768x2048xf32, #tpu.memory_space<hbm>> -> memref<64x2048xf32, #tpu.memory_space<hbm>>
    %dma_wait3A_20 = arith.constant 0 : i32
    %dma_wait3A_21 = arith.constant 0 : i32
    %dma_wait3A_22 = tpu.memref_slice %arg17[%arg0, %dma_wait3A_20, %dma_wait3A_21] : memref<2x64x2048xf32, #tpu.memory_space<vmem_shared>> -> memref<1x64x2048xf32, #tpu.memory_space<vmem_shared>>
    %dma_wait3A_23 = tpu.memref_squeeze %dma_wait3A_22 : memref<1x64x2048xf32, #tpu.memory_space<vmem_shared>> -> memref<64x2048xf32, #tpu.memory_space<vmem_shared>>
    tpu.wait_dma2 semaphore(%arg24 : memref<!tpu.dma_semaphore, #tpu.memory_space<semaphore_mem>>) src(%dma_wait3A_23 : memref<64x2048xf32, #tpu.memory_space<vmem_shared>>) dst(%dma_wait3A_19 : memref<64x2048xf32, #tpu.memory_space<hbm>>)
    %dma_wait3A_24 = arith.constant 0 : i32
    %dma_wait3A_25 = tpu.memref_slice %arg3[%add3A_1, %dma_wait3A_24] : memref<32768x2048xf32, #tpu.memory_space<hbm>> -> memref<64x2048xf32, #tpu.memory_space<hbm>>
    %dma_wait3A_26 = arith.constant 0 : i32
    %dma_wait3A_27 = arith.constant 0 : i32
    %dma_wait3A_28 = tpu.memref_slice %arg18[%arg0, %dma_wait3A_26, %dma_wait3A_27] : memref<2x64x2048xf32, #tpu.memory_space<vmem_shared>> -> memref<1x64x2048xf32, #tpu.memory_space<vmem_shared>>
    %dma_wait3A_29 = tpu.memref_squeeze %dma_wait3A_28 : memref<1x64x2048xf32, #tpu.memory_space<vmem_shared>> -> memref<64x2048xf32, #tpu.memory_space<vmem_shared>>
    tpu.wait_dma2 semaphore(%arg25 : memref<!tpu.dma_semaphore, #tpu.memory_space<semaphore_mem>>) src(%dma_wait3A_29 : memref<64x2048xf32, #tpu.memory_space<vmem_shared>>) dst(%dma_wait3A_25 : memref<64x2048xf32, #tpu.memory_space<hbm>>)
    return
  }
}

</mosaic_0001>

<sc_bundles>
// kernel: kernel.3.cloned.1.call-start
scs
__scs_entry_jumppad:
0x0: {  	(pc) =	sbr.rel $0x88, $3  }
0x1: {  	(tag) =	ssettag $0x0;
	lr =	simm.s32 $0x1  }
0x2: {  	[smem:$0x3F9F] =	sst lr;
	_ =	strace $0xD0000000  }
0x3: {  	_ = 	snop  }
0x4: {  	_ = 	snop  }
0x5: {  	_ = 	snop  }
0x6: {  	_ = 	snop  }
0x7: {  	_ = 	snop  }
__scs_overlays_trampoline_lowered:
0x8: {  	[smem:$0x3FAE] =	sst s0  }
0x9: {  	[smem:$0x3FAF] =	sst s1  }
0xa: {  	[smem:$0x3FB0] =	sst s2  }
0xb: {  	[smem:$0x3FB1] =	sst s3  }
0xc: {  	[smem:$0x3FB2] =	sst s4  }
0xd: {  	[smem:$0x3FB3] =	sst s5  }
0xe: {  	[smem:$0x3FB4] =	sst s6  }
0xf: {  	[smem:$0x3FB5] =	sst s7  }
0x10: {  	[smem:$0x3FB6] =	sst s8  }
0x11: {  	[smem:$0x3FB7] =	sst s9;
	s0 =	simm.s32 @!p0 $0x0  }
0x12: {  	s1 =	sld [smem:$0x3F9D];
	s0 =	simm.s32 @p0 $0x1  }
0x13: {  	[smem:$0x3FB8] =	sst s0;
	s0 =	simm.s32 @!p1 $0x0  }
0x14: {  	s2 =	sld [smem:$0x3F9C];
	s0 =	simm.s32 @p1 $0x1  }
0x15: {  	[smem:$0x3FB9] =	sst s0;
	s0 =	simm.s32 @!p2 $0x0  }
0x16: {  	s3 =	sld [smem:$0x3FDB];
	s0 =	simm.s32 @p2 $0x1  }
0x17: {  	s4 =	simm.s32 $0x1BF5;
	[smem:$0x3FBB] =	sst s0  }
0x18: {  	s0 =	sld [smem:$0x3F9E];
	_ =	swait.ge [sflag:s4], $0x0  }
0x19: {  	s7 =	sld [smem:$0x3F9F]  }
0x1a: {  	s8 =	sadd.s32 $0xFFFFE003, lr  }
0x1b: {  	s9 =	sadd.s32 $0xFFFFFEF7, lr;
	s5 =	simm.s32 $0xFFFFFFFF;
	p2 =	slt.u32 s8, $0xFFFFF086  }
0x1c: {  	p1 =	slt.u32 s9, $0xF7A;
	s5 =	simm.s32 @!p2 $0x0  }
0x1d: {  	s5 =	simm.s32 @p1 $0x1;
	p0 =	seq.s32 s7, s2  }
0x1e: {  	s7 =	smul.u32 @!p0 $0xF7A, s2;
	p2 =	seq.s32 @!p0 s5, $0x0  }
0x1f: {  	s9 =	smul.u32 $0xF7A, s1;
	s8 =	simm.s32 @!p0 $0x1BF5;
	p2 =	por !p2, p0  }
0x20: {  	[sflag:s8] =	ssyncset.s32 @!p0 $0xFFFFF086;
	s6 =	sadd.s32 @!p0 s3, s7;
	s7 =	simm.s32 @!p0 $0x108  }
0x21: {  	s3 =	sadd.s32 s3, s9;
	s6 =	sadd.s32 @!p0 $0x88, s6;
	s7 =	simm.s32 @p2 $0x1082  }
0x22: {  	[simem:s7], [sflag:s8] =	dma.local @!p0 [hbm:s6], $0xF7A  }
0x23: {  	s9 =	sor.u32 $0xD0000000, s2;
	s6 =	simm.s32 $0x108;
	_ =	swait.ge @!p0 [sflag:s8], $0x0  }
0x24: {  	s3 =	sadd.s32 $0x88, s3;
	s6 =	simm.s32 @!p1 $0x1082;
	[sflag:s4] =	ssyncset.s32 $0xFFFFF086  }
0x25: {  	[simem:s6], [sflag:s4] =	dma.local [hbm:s3], $0xF7A  }
0x26: {  	[smem:$0x3F9F] =	sst s1;
	(tag) =	ssettag s2;
	_ =	strace s9  }
0x27: {  	s1 =	sld [smem:$0x3FAF]  }
0x28: {  	s2 =	sld [smem:$0x3FB0]  }
0x29: {  	s4 =	sld [smem:$0x3FB2]  }
0x2a: {  	p0 =	seq.s32 s5, $0x0;
	s5 =	sld [smem:$0x3FB3]  }
0x2b: {  	s6 =	sld [smem:$0x3FB4]  }
0x2c: {  	s7 =	sld [smem:$0x3FB5]  }
0x2d: {  	s3 =	simm.s32 $0x108;
	s8 =	sld [smem:$0x3FB6]  }
0x2e: {  	s3 =	simm.s32 @!p0 $0x1082;
	s9 =	sld [smem:$0x3FB7]  }
0x2f: {  	lr =	sadd.s32 s0, s3;
	s0 =	sld [smem:$0x3FAE]  }
0x30: {  	s3 =	sld [smem:$0x3FB1]  }
0x31: {  	[smem:$0x3FBA] =	sst s10  }
0x32: {  	s10 =	sld [smem:$0x3FB8];
	_ =	sdelay $0x3  }
0x33: {  	p0 =	seq.s32 s10, $0x1;
	s10 =	sld [smem:$0x3FBA];
	_ =	sdelay $0x3  }
0x34: {  	[smem:$0x3FBA] =	sst s10  }
0x35: {  	s10 =	sld [smem:$0x3FB9];
	_ =	sdelay $0x3  }
0x36: {  	p1 =	seq.s32 s10, $0x1;
	s10 =	sld [smem:$0x3FBA];
	_ =	sdelay $0x3  }
0x37: {  	[smem:$0x3FBA] =	sst s10  }
0x38: {  	s10 =	sld [smem:$0x3FBB]  }
0x39: {  	_ = 	snop;
	(pc) =	sbr.ind lr, $3  }
0x3a: {  	_ = 	snop  }
0x3b: {  	_ = 	snop  }
0x3c: {  	p2 =	seq.s32 s10, $0x1;
	s10 =	sld [smem:$0x3FBA]  }
0x3d: {  	_ =	shalt  }
0x3e: {  	_ =	shalt  }
0x3f: {  	_ =	shalt  }
0x40: {  	_ =	shalt  }
0x41: {  	_ =	shalt  }
0x42: {  	_ =	shalt  }
0x43: {  	_ =	shalt  }
0x44: {  	_ =	shalt  }
0x45: {  	_ =	shalt  }
0x46: {  	_ =	shalt  }
0x47: {  	_ =	shalt  }
0x48: {  	_ =	shalt  }
0x49: {  	_ =	shalt  }
0x4a: {  	_ =	shalt  }
0x4b: {  	_ =	shalt  }
0x4c: {  	_ =	shalt  }
0x4d: {  	_ =	shalt  }
0x4e: {  	_ =	shalt  }
0x4f: {  	_ =	shalt  }
0x50: {  	_ =	shalt  }
0x51: {  	_ =	shalt  }
0x52: {  	_ =	shalt  }
0x53: {  	_ =	shalt  }
0x54: {  	_ =	shalt  }
0x55: {  	_ =	shalt  }
0x56: {  	_ =	shalt  }
0x57: {  	_ =	shalt  }
0x58: {  	_ =	shalt  }
0x59: {  	_ =	shalt  }
0x5a: {  	_ =	shalt  }
0x5b: {  	_ =	shalt  }
0x5c: {  	_ =	shalt  }
0x5d: {  	_ =	shalt  }
0x5e: {  	_ =	shalt  }
0x5f: {  	_ =	shalt  }
0x60: {  	_ =	shalt  }
0x61: {  	_ =	shalt  }
0x62: {  	_ =	shalt  }
0x63: {  	_ =	shalt  }
0x64: {  	_ =	shalt  }
0x65: {  	_ =	shalt  }
0x66: {  	_ =	shalt  }
0x67: {  	_ =	shalt  }
0x68: {  	_ =	shalt  }
0x69: {  	_ =	shalt  }
0x6a: {  	_ =	shalt  }
0x6b: {  	_ =	shalt  }
0x6c: {  	_ =	shalt  }
0x6d: {  	_ =	shalt  }
0x6e: {  	_ =	shalt  }
0x6f: {  	_ =	shalt  }
0x70: {  	_ =	shalt  }
0x71: {  	_ =	shalt  }
0x72: {  	_ =	shalt  }
0x73: {  	_ =	shalt  }
0x74: {  	_ =	shalt  }
0x75: {  	_ =	shalt  }
0x76: {  	_ =	shalt  }
0x77: {  	_ =	shalt  }
0x78: {  	_ =	shalt  }
0x79: {  	_ =	shalt  }
0x7a: {  	_ =	shalt  }
0x7b: {  	_ =	shalt  }
0x7c: {  	_ =	shalt  }
0x7d: {  	_ =	shalt  }
0x7e: {  	_ =	shalt  }
0x7f: {  	_ =	shalt  }
0x80: {  	_ =	shalt  }
0x81: {  	_ =	shalt  }
0x82: {  	_ =	shalt  }
0x83: {  	_ =	shalt  }
0x84: {  	_ =	shalt  }
0x85: {  	_ =	shalt  }
0x86: {  	_ =	shalt  }
0x87: {  	_ =	shalt  }
.Lfunc_end0:
.L_simem_size_0:
called_computation_lowered:
.L_overlay_start_0:
0x88: {  	s1 =	sld [smem:$0x3FD9]  }
0x89: {  	s2 =	sld [smem:$0x3FFE];
	_ =	sdelay $0x1  }
0x8a: {  	s0 =	srdreg.scid  }
0x8b: {  	s0 =	sand.u32 $0x1, s0  }
0x8c: {  	s19 =	sshll.u32 s0, $0xA;
	s1 =	sadd.s32 s2, s1  }
0x8d: {  	s1 =	sadd.s32 s1, s19  }
0x8e: {  	s4 =	simm.s32 $0x0;
	[smem:$0x3FC6] =	sst s1  }
0x8f: {  	[smem:$0xF] =	sst s4  }
0x90: {  	s2 =	sld [smem:$0x3FC8]  }
0x91: {  	s3 =	sld [smem:$0x3FD0];
	(tm) =	ssettm $0x1  }
0x92: {  	s20 =	sld [smem:$0x3FFB];
	_ =	sdelay $0x3  }
0x93: {  	_ =	strace s20  }
0x94: {  	s1 =	sld [smem:$0x3FFC];
	_ =	sdelay $0x3  }
0x95: {  	_ =	strace s1  }
0x96: {  	s1 =	sld [smem:$0x3FFD];
	_ =	sdelay $0x3  }
0x97: {  	_ =	strace s1  }
0x98: {  	_ =	strace $0x8FFFFFFF  }
0x99: {  	s21 =	sld [smem:$0x3FDB];
	_ =	sdelay $0x2  }
0x9a: {  	s5 =	simm.s32 $_scs_section_size;
	s6 =	simm.s32 $_tile_overlayer_lowered  }
0x9b: {  	s22 =	simm.s32 $_size__tile_overlayer_lowered;
	s6 =	sshll.u32 s6, $0x1;
	s1 =	sadd.s32 s5, s21  }
0x9c: {  	s7 =	simm.s32 $0x1BFF;
	s5 =	sshll.u32 s22, $0x1;
	s6 =	sadd.s32 s6, s1  }
0x9d: {  	[timem:s4], [sflag:s7] =	dma.local [hbm:s6], s5  }
0x9e: {  	_ =	swait.ge [sflag:s7], s5  }
0x9f: {  	s5 =	ssub.s32 $0x0, s5;
	[sflag:s7] =	ssyncset.done $0x0  }
0xa0: {  	[sflag:s7] =	ssyncadd.s32 s5;
	_ =	sdelay $0x1  }
0xa1: {  	s23 =	simm.s32 $0x1B8B  }
0xa2: {  	_ =	swait.ge [sflag:s23], $0x1  }
0xa3: {  	s25 =	simm.s32 $0x1B8E;
	[sflag:s23] =	ssyncset.done $0x0  }
0xa4: {  	s26 =	simm.s32 $execute0_lowered;
	s24 =	sld [smem:$0x3FFE];
	[sflag:s23] =	ssyncadd.s32 $0xFFFFFFFF  }
0xa5: {  	s28 =	simm.s32 $_size_execute0_lowered;
	[smem:$0x3FD2] =	sst s25  }
0xa6: {  	s5 =	sshll.u32 s26, $0x1;
	_ =	strace $0x80000046;
	[dreg:$0x1] =	wrdreg $0xFFFFFFFF  }
0xa7: {  	s9 =	simm.s32 $0x10;
	s1 =	sadd.s32 s1, s5;
	[dreg:$0x0] =	wrdreg $0x0  }
0xa8: {  	s16 =	simm.s32 $0xC;
	s5 =	sshll.u32 s28, $0x1;
	[dreg:$0x2] =	wrdreg s1  }
0xa9: {  	s17 =	simm.s32 $0x1;
	s18 =	simm.s32 $0x80;
	[dreg:$0x3] =	wrdreg s5  }
0xaa: {  	s29 =	sshll.u32 s0, $0xC;
	s31 =	sshll.u32 s0, $0x9;
	[dreg:$0x4] =	wrdreg $0xC0  }
0xab: {  	s12 =	sshll.u32 s0, $0x11;
	s14 =	sshll.u32 s0, $0x14;
	_ =	task [dreg:s4], $0x5FFFF  }
0xac: {  	s13 =	sor.u32 $0x6100, s29;
	s19 =	simm.s32 $0xE;
	[dreg:$0x1] =	wrdreg $0xFFFFFFFF  }
0xad: {  	s15 =	sadd.s32 s14, s3;
	s14 =	sor.u32 $0x6180, s29;
	[dreg:$0x0] =	wrdreg $0x60  }
0xae: {  	s15 =	sadd.s32 $0x604000, s15;
	s20 =	simm.s32 $0xD;
	[dreg:$0x2] =	wrdreg s2  }
0xaf: {  	s21 =	simm.s32 $0xF;
	s22 =	simm.s32 $0x0;
	[dreg:$0x3] =	wrdreg s24  }
0xb0: {  	s7 =	simm.s32 $0xA;
	s5 =	sor.u32 $0x6000, s29;
	[dreg:$0x4] =	wrdreg s3  }
0xb1: {  	s6 =	sadd.s32 $0x400, s24;
	s30 =	sshrl.u32 s5, $0x3;
	[dreg:$0x5] =	wrdreg $0x9  }
0xb2: {  	s11 =	sshll.u32 s5, $0x8;
	s8 =	sadd.s32 s30, s6;
	_ =	task.clear_ibuf [dreg:s4], $0x6FFFF  }
0xb3: {  	[smem:s9], [sflag:s7] =	dma.local [hbm:s8], $0x10  }
.Ltmp0:
0xb4: {  	s11 =	sadd.s32 s11, s3;
	s8 =	sadd.s32 s31, s6;
	(pc) =	sbr.rel .LBB1_1-.Ltmp0, $3  }
0xb5: {  	s9 =	simm.s32 $0x90;
	s10 =	sadd.s32 $0xC10, s8;
	s8 =	simm.s32 $0xB  }
0xb6: {  	[smem:s9], [sflag:s8] =	dma.local [hbm:s10], $0x10  }
0xb7: {  	s10 =	sor.u32 $0x103000, s12;
	[dreg:$0x6] =	wrdreg s0;
	s12 =	sor.u32 $0x143000, s12  }
.LBB1_9:
0xb8: {  	s0 =	sshll.u32 s1, $0xB;
	s29 =	sshll.u32 s1, $0x7;
	s25 =	sadd.s32 $0x80, s25  }
0xb9: {  	s28 =	sand.u32 $0x1C000, s30;
	s0 =	sand.u32 $0xFFFFC000, s0;
	s1 =	sand.u32 $0x380, s29  }
0xba: {  	s30 =	sadd.s32 s28, s12;
	s25 =	sand.u32 $0x380, s25;
	s0 =	sor.u32 s1, s0  }
0xbb: {  	s1 =	sadd.s32 s25, s30;
	s0 =	sshrl.u32 s0, $0x3  }
0xbc: {  	s1 =	sshrl.u32 s1, $0x3;
	s0 =	sadd.s32 s2, s0  }
0xbd: {  	[spmem:s1@s18], [sflag:s20] =	dma.strided [hbm:s0@s18], $0x100, s17, $0x10   }
0xbe: {  	_ =	swait.ge [sflag:s20], $0x4000  }
0xbf: {  	[sflag:s20] =	ssyncset.done $0x0  }
0xc0: {  	[sflag:s20] =	ssyncadd.s32 $0xFFFFC000  }
0xc1: {  	s31 =	sadd.s32 s15, s23;
	s0 =	simm.s32 @p0 $0xE  }
0xc2: {  	[hbm:s31], [sflag:s21] =	dma.local [spmem:s26], $0x4000  }
0xc3: {  	_ =	swait.ge @p0 [sflag:s0], $0x4000  }
0xc4: {  	[sflag:s0] =	ssyncset.done @p0 $0x0  }
0xc5: {  	[sflag:s0] =	ssyncadd.s32 @p0 $0xFFFFC000;
	_ =	sdelay $0x1  }
0xc6: {  	s0 =	simm.s32 @p0 $0xF  }
0xc7: {  	_ =	swait.ge @p0 [sflag:s0], $0x4000  }
0xc8: {  	[sflag:s0] =	ssyncset.done @p0 $0x0  }
0xc9: {  	[sflag:s0] =	ssyncadd.s32 @p0 $0xFFFFC000  }
0xca: {  	_ =	strace @p0 $0x90000046  }
0xcb: {  	s0 =	simm.s32 @p0 $0x9;
	_ =	strace @p0 $0x80000048  }
0xcc: {  	_ =	swait.ge @p0 [sflag:s0], $0x1  }
0xcd: {  	[sflag:s0] =	ssyncadd.s32 @p0 $0xFFFFFFFF  }
0xce: {  	_ =	strace @p0 $0x90000048  }
0xcf: {  	_ =	sfence @p0  }
0xd0: {  	s0 =	sld @p0 [smem:$0x0];
	_ =	sdelay $0x1  }
0xd1: {  	s2 =	srdreg.scid @p0  }
0xd2: {  	s1 =	sshll.u32 @p0 s2, $0xD;
	s2 =	sshrl.u32 @p0 s2, $0x2  }
0xd3: {  	s1 =	sand.u32 @p0 $0x4000, s1;
	s0 =	sadd.s32 @p0 s2, s0;
	s2 =	rddreg @p0 [dreg:$0x6]  }
0xd4: {  	s1 =	sor.u32 @p0 s1, s2;
	s0 =	sshll.u32 @p0 s0, $0x11  }
0xd5: {  	s0 =	sor.u32 @p0 s0, s1  }
0xd6: {  	s0 =	sadd.s32 @p0 $0x8F2B, s0  }
0xd7: {  	[sflag:s0] =	ssyncadd.remote.s32 @p0 $0x1  }
0xd8: {  	_ =	sfence.sel @p0 $0xFFFF  }
0xd9: {  	[dreg:$0x0] =	wrdreg @p0 $0xFFFFFFFF;
	(pc) =	sbr.abs @p0 _section_cstart, $3  }
0xda: {  	s0 =	simm.s32 @p0 $0x0;
	[dreg:$0x1] =	wrdreg @p0 $0xFFFFFFFF  }
0xdb: {  	_ =	task.clear_ibuf @p0 [dreg:s0], $0x2FFFF;
	_ =	strace @p0 $0x9FFFFFFF  }
0xdc: {  	(tm) =	ssettm @p0 $0x7FFFFFFF  }
0xdd: {  	s0 =	sadd.s32 s24, s14  }
0xde: {  	s0 =	sshrl.u32 s0, $0x3  }
0xdf: {  	s22 =	sadd.s32 $0x1, s22;
	s0 =	sadd.s32 s6, s0  }
0xe0: {  	[smem:s9], [sflag:s8] =	dma.local [hbm:s0], $0x10  }
.LBB1_1:
0xe1: {  	_ =	sdelay $0x1  }
0xe2: {  	_ =	swait.ge [sflag:s7], $0x10  }
0xe3: {  	[sflag:s7] =	ssyncset.done $0x0  }
0xe4: {  	[sflag:s7] =	ssyncadd.s32 $0xFFFFFFF0  }
0xe5: {  	p0 =	seq.s32 s22, $0x0  }
0xe6: {  	s1 =	simm.s32 @!p0 $0xE  }
0xe7: {  	_ =	swait.ge @!p0 [sflag:s1], $0x4000  }
0xe8: {  	[sflag:s1] =	ssyncset.done @!p0 $0x0  }
0xe9: {  	[sflag:s1] =	ssyncadd.s32 @!p0 $0xFFFFC000  }
0xea: {  	s1 =	sld [smem:$0x10];
	_ =	sdelay $0x3  }
0xeb: {  	s24 =	sand.u32 $0x1C000, s4;
	s23 =	sshll.u32 s1, $0xB;
	s1 =	sshll.u32 s1, $0x7  }
0xec: {  	s31 =	sand.u32 $0x380, s4;
	s23 =	sand.u32 $0xFFFFC000, s23;
	s1 =	sand.u32 $0x380, s1  }
0xed: {  	s28 =	simm.s32 $0x800;
	s30 =	sadd.s32 s24, s10;
	s1 =	sor.u32 s1, s23  }
0xee: {  	s25 =	simm.s32 $0x11;
	s23 =	sadd.s32 s31, s30;
	s1 =	sshrl.u32 s1, $0x3  }
0xef: {  	s26 =	simm.s32 $0x1000;
	s23 =	sshrl.u32 s23, $0x3;
	s1 =	sadd.s32 s2, s1  }
0xf0: {  	[spmem:s23@s18], [sflag:s16] =	dma.strided [hbm:s1@s18], $0x100, s17, $0x10   }
0xf1: {  	s24 =	simm.s32 $0x0;
	s23 =	sshll.u32 s22, $0x10;
	s29 =	sld [smem:$0x11]  }
.LBB1_2:
0xf2: {  	p1 =	sne.s32 s26, $0x1F800;
	_ =	sdelay $0x2  }
0xf3: {  	s24 =	sadd.s32 $0x80, s24;
	s1 =	sshll.u32 s29, $0xB;
	s29 =	sshll.u32 s29, $0x7  }
0xf4: {  	s28 =	sand.u32 $0x1C000, s28;
	s1 =	sand.u32 $0xFFFFC000, s1;
	s29 =	sand.u32 $0x380, s29  }
0xf5: {  	s28 =	sadd.s32 s28, s10;
	s1 =	sor.u32 s29, s1;
	s29 =	sand.u32 $0x380, s24  }
.Ltmp1:
0xf6: {  	s28 =	sadd.s32 s29, s28;
	s1 =	sshrl.u32 s1, $0x3;
	(pc) =	sbr.rel @p1 .LBB1_2-.Ltmp1, $3  }
0xf7: {  	s25 =	sadd.s32 $0x1, s25;
	s1 =	sadd.s32 s2, s1;
	s28 =	sshrl.u32 s28, $0x3  }
0xf8: {  	[spmem:s28@s18], [sflag:s16] =	dma.strided [hbm:s1@s18], $0x100, s17, $0x10   }
0xf9: {  	s28 =	smov.u32 s26;
	s26 =	sadd.s32 $0x800, s26;
	s29 =	sld [smem:s25+$0x0]  }
0xfa: {  	_ =	sdelay $0x2  }
0xfb: {  	s24 =	sadd.s32 $0x80, s24;
	s1 =	sshll.u32 s29, $0xB;
	s25 =	sshll.u32 s29, $0x7  }
0xfc: {  	s26 =	sand.u32 $0x1C000, s28;
	s1 =	sand.u32 $0xFFFFC000, s1;
	s25 =	sand.u32 $0x380, s25  }
0xfd: {  	s26 =	sadd.s32 s26, s10;
	s24 =	sand.u32 $0x380, s24;
	s1 =	sor.u32 s25, s1  }
0xfe: {  	s24 =	sadd.s32 s24, s26;
	s1 =	sshrl.u32 s1, $0x3  }
0xff: {  	s24 =	sshrl.u32 s24, $0x3;
	s1 =	sadd.s32 s2, s1  }
0x100: {  	[spmem:s24@s18], [sflag:s16] =	dma.strided [hbm:s1@s18], $0x100, s17, $0x10   }
0x101: {  	_ =	swait.ge [sflag:s16], $0x4000  }
0x102: {  	[sflag:s16] =	ssyncset.done $0x0  }
0x103: {  	[sflag:s16] =	ssyncadd.s32 $0xFFFFC000  }
0x104: {  	s31 =	sadd.s32 s23, s11;
	s25 =	sshrl.u32 s10, $0x3;
	s1 =	simm.s32 @!p0 $0xF  }
0x105: {  	[hbm:s31], [sflag:s19] =	dma.local [spmem:s25], $0x4000  }
0x106: {  	_ =	swait.ge @!p0 [sflag:s1], $0x4000  }
0x107: {  	[sflag:s1] =	ssyncset.done @!p0 $0x0  }
0x108: {  	[sflag:s1] =	ssyncadd.s32 @!p0 $0xFFFFC000  }
0x109: {  	s1 =	sld [smem:$0x50];
	_ =	sdelay $0x3  }
0x10a: {  	s24 =	simm.s32 $0x0;
	s0 =	sshll.u32 s1, $0xB;
	s1 =	sshll.u32 s1, $0x7  }
0x10b: {  	s28 =	sand.u32 $0x1C000, s24;
	s26 =	sand.u32 $0xFFFFC000, s0;
	s1 =	sand.u32 $0x380, s1  }
0x10c: {  	s31 =	sadd.s32 s28, s12;
	s28 =	sand.u32 $0x380, s24;
	s1 =	sor.u32 s1, s26  }
0x10d: {  	s26 =	sadd.s32 s28, s31;
	s1 =	sshrl.u32 s1, $0x3  }
0x10e: {  	s29 =	simm.s32 $0x800;
	s26 =	sshrl.u32 s26, $0x3;
	s1 =	sadd.s32 s2, s1  }
0x10f: {  	[spmem:s26@s18], [sflag:s20] =	dma.strided [hbm:s1@s18], $0x100, s17, $0x10   }
0x110: {  	s28 =	simm.s32 $0x1000;
	s26 =	simm.s32 $0x51;
	s30 =	sld [smem:$0x51]  }
.LBB1_4:
0x111: {  	p0 =	sne.s32 s28, $0x1F800;
	_ =	sdelay $0x2  }
0x112: {  	s24 =	sadd.s32 $0x80, s24;
	s1 =	sshll.u32 s30, $0xB;
	s30 =	sshll.u32 s30, $0x7  }
0x113: {  	s29 =	sand.u32 $0x1C000, s29;
	s1 =	sand.u32 $0xFFFFC000, s1;
	s30 =	sand.u32 $0x380, s30  }
0x114: {  	s29 =	sadd.s32 s29, s12;
	s1 =	sor.u32 s30, s1;
	s30 =	sand.u32 $0x380, s24  }
.Ltmp2:
0x115: {  	s29 =	sadd.s32 s30, s29;
	s1 =	sshrl.u32 s1, $0x3;
	(pc) =	sbr.rel @p0 .LBB1_4-.Ltmp2, $3  }
0x116: {  	s26 =	sadd.s32 $0x1, s26;
	s1 =	sadd.s32 s2, s1;
	s29 =	sshrl.u32 s29, $0x3  }
0x117: {  	[spmem:s29@s18], [sflag:s20] =	dma.strided [hbm:s1@s18], $0x100, s17, $0x10   }
0x118: {  	s29 =	smov.u32 s28;
	s28 =	sadd.s32 $0x800, s28;
	s30 =	sld [smem:s26+$0x0]  }
0x119: {  	_ =	sdelay $0x2  }
0x11a: {  	s24 =	sadd.s32 $0x80, s24;
	s1 =	sshll.u32 s30, $0xB;
	s26 =	sshll.u32 s30, $0x7  }
0x11b: {  	s28 =	sand.u32 $0x1C000, s29;
	s1 =	sand.u32 $0xFFFFC000, s1;
	s26 =	sand.u32 $0x380, s26  }
0x11c: {  	s0 =	sadd.s32 s28, s12;
	s24 =	sand.u32 $0x380, s24;
	s1 =	sor.u32 s26, s1  }
0x11d: {  	s24 =	sadd.s32 s24, s0;
	s1 =	sshrl.u32 s1, $0x3  }
0x11e: {  	s24 =	sshrl.u32 s24, $0x3;
	s1 =	sadd.s32 s2, s1  }
0x11f: {  	[spmem:s24@s18], [sflag:s20] =	dma.strided [hbm:s1@s18], $0x100, s17, $0x10   }
0x120: {  	s24 =	sshll.u32 s22, $0x8  }
0x121: {  	s26 =	sadd.s32 s24, s5  }
0x122: {  	_ =	swait.ge [sflag:s20], $0x4000;
	s1 =	sshll.u32 s26, $0x8  }
0x123: {  	p0 =	seq.s32 s22, $0xF;
	[sflag:s20] =	ssyncset.done $0x0;
	s1 =	sadd.s32 s3, s1  }
0x124: {  	s26 =	sshrl.u32 s12, $0x3;
	[sflag:s20] =	ssyncadd.s32 $0xFFFFC000;
	s1 =	sadd.s32 $0x4000, s1  }
0x125: {  	[hbm:s1], [sflag:s21] =	dma.local [spmem:s26], $0x4000  }
0x126: {  	s1 =	sadd.s32 @!p0 s24, s13  }
0x127: {  	s1 =	sshrl.u32 @!p0 s1, $0x3  }
0x128: {  	s28 =	simm.s32 @!p0 $0x10;
	s1 =	sadd.s32 @!p0 s6, s1  }
0x129: {  	[smem:s28], [sflag:s7] =	dma.local @!p0 [hbm:s1], $0x10  }
0x12a: {  	_ =	swait.ge [sflag:s8], $0x10  }
0x12b: {  	[sflag:s8] =	ssyncset.done $0x0  }
0x12c: {  	[sflag:s8] =	ssyncadd.s32 $0xFFFFFFF0;
	_ =	sdelay $0x2  }
0x12d: {  	_ =	swait.ge [sflag:s19], $0x4000  }
0x12e: {  	[sflag:s19] =	ssyncset.done $0x0  }
0x12f: {  	[sflag:s19] =	ssyncadd.s32 $0xFFFFC000  }
0x130: {  	s0 =	sld [smem:$0x90];
	_ =	sdelay $0x3  }
0x131: {  	s28 =	simm.s32 $0x0;
	s29 =	sshll.u32 s0, $0xB;
	s1 =	sshll.u32 s0, $0x7  }
0x132: {  	s30 =	sand.u32 $0x1C000, s28;
	s29 =	sand.u32 $0xFFFFC000, s29;
	s1 =	sand.u32 $0x380, s1  }
0x133: {  	s1 =	sor.u32 s1, s29;
	s29 =	sadd.s32 s30, s10;
	s30 =	sand.u32 $0x380, s28  }
0x134: {  	s29 =	sadd.s32 s30, s29;
	s1 =	sshrl.u32 s1, $0x3  }
0x135: {  	s31 =	simm.s32 $0x800;
	s1 =	sadd.s32 s2, s1;
	s29 =	sshrl.u32 s29, $0x3  }
0x136: {  	[spmem:s29@s18], [sflag:s16] =	dma.strided [hbm:s1@s18], $0x100, s17, $0x10   }
0x137: {  	s30 =	simm.s32 $0x1000;
	s29 =	simm.s32 $0x91;
	s1 =	sld [smem:$0x91]  }
.LBB1_6:
0x138: {  	p1 =	sne.s32 s30, $0x1F800;
	_ =	sdelay $0x2  }
0x139: {  	s28 =	sadd.s32 $0x80, s28;
	s0 =	sshll.u32 s1, $0xB;
	s1 =	sshll.u32 s1, $0x7  }
0x13a: {  	s31 =	sand.u32 $0x1C000, s31;
	s0 =	sand.u32 $0xFFFFC000, s0;
	s1 =	sand.u32 $0x380, s1  }
0x13b: {  	s0 =	sor.u32 s1, s0;
	s1 =	sadd.s32 s31, s10;
	s31 =	sand.u32 $0x380, s28  }
.Ltmp3:
0x13c: {  	s1 =	sadd.s32 s31, s1;
	s0 =	sshrl.u32 s0, $0x3;
	(pc) =	sbr.rel @p1 .LBB1_6-.Ltmp3, $3  }
0x13d: {  	s29 =	sadd.s32 $0x1, s29;
	s0 =	sadd.s32 s2, s0;
	s1 =	sshrl.u32 s1, $0x3  }
0x13e: {  	[spmem:s1@s18], [sflag:s16] =	dma.strided [hbm:s0@s18], $0x100, s17, $0x10   }
0x13f: {  	s31 =	smov.u32 s30;
	s30 =	sadd.s32 $0x800, s30;
	s1 =	sld [smem:s29+$0x0]  }
0x140: {  	_ =	sdelay $0x2  }
0x141: {  	s28 =	sadd.s32 $0x80, s28;
	s0 =	sshll.u32 s1, $0xB;
	s1 =	sshll.u32 s1, $0x7  }
0x142: {  	s29 =	sand.u32 $0x1C000, s31;
	s0 =	sand.u32 $0xFFFFC000, s0;
	s1 =	sand.u32 $0x380, s1  }
0x143: {  	s31 =	sadd.s32 s29, s10;
	s28 =	sand.u32 $0x380, s28;
	s0 =	sor.u32 s1, s0  }
0x144: {  	s1 =	sadd.s32 s28, s31;
	s0 =	sshrl.u32 s0, $0x3  }
0x145: {  	s1 =	sshrl.u32 s1, $0x3;
	s0 =	sadd.s32 s2, s0  }
0x146: {  	[spmem:s1@s18], [sflag:s16] =	dma.strided [hbm:s0@s18], $0x100, s17, $0x10   }
0x147: {  	_ =	swait.ge [sflag:s16], $0x4000  }
0x148: {  	[sflag:s16] =	ssyncset.done $0x0  }
0x149: {  	s23 =	sor.u32 $0x8000, s23;
	[sflag:s16] =	ssyncadd.s32 $0xFFFFC000  }
0x14a: {  	s31 =	sadd.s32 s23, s11  }
0x14b: {  	[hbm:s31], [sflag:s19] =	dma.local [spmem:s25], $0x4000  }
0x14c: {  	_ =	swait.ge [sflag:s21], $0x4000  }
0x14d: {  	[sflag:s21] =	ssyncset.done $0x0  }
0x14e: {  	[sflag:s21] =	ssyncadd.s32 $0xFFFFC000  }
0x14f: {  	s1 =	sld [smem:$0xD0];
	_ =	sdelay $0x3  }
0x150: {  	s25 =	simm.s32 $0x0;
	s31 =	sshll.u32 s1, $0xB;
	s0 =	sshll.u32 s1, $0x7  }
0x151: {  	s28 =	sand.u32 $0x1C000, s25;
	s1 =	sand.u32 $0xFFFFC000, s31;
	s0 =	sand.u32 $0x380, s0  }
0x152: {  	s31 =	sadd.s32 s28, s12;
	s28 =	sand.u32 $0x380, s25;
	s0 =	sor.u32 s0, s1  }
0x153: {  	s1 =	sadd.s32 s28, s31;
	s0 =	sshrl.u32 s0, $0x3  }
0x154: {  	s30 =	simm.s32 $0x800;
	s1 =	sshrl.u32 s1, $0x3;
	s0 =	sadd.s32 s2, s0  }
0x155: {  	[spmem:s1@s18], [sflag:s20] =	dma.strided [hbm:s0@s18], $0x100, s17, $0x10   }
0x156: {  	s29 =	simm.s32 $0x1000;
	s28 =	simm.s32 $0xD1;
	s1 =	sld [smem:$0xD1]  }
.LBB1_8:
0x157: {  	p1 =	sne.s32 s29, $0x1F800;
	_ =	sdelay $0x2  }
0x158: {  	s0 =	sshll.u32 s1, $0xB;
	s1 =	sshll.u32 s1, $0x7;
	s25 =	sadd.s32 $0x80, s25  }
0x159: {  	s30 =	sand.u32 $0x1C000, s30;
	s0 =	sand.u32 $0xFFFFC000, s0;
	s1 =	sand.u32 $0x380, s1  }
0x15a: {  	s0 =	sor.u32 s1, s0;
	s1 =	sadd.s32 s30, s12;
	s30 =	sand.u32 $0x380, s25  }
.Ltmp4:
0x15b: {  	s1 =	sadd.s32 s30, s1;
	s0 =	sshrl.u32 s0, $0x3;
	(pc) =	sbr.rel @p1 .LBB1_8-.Ltmp4, $3  }
0x15c: {  	s28 =	sadd.s32 $0x1, s28;
	s0 =	sadd.s32 s2, s0;
	s1 =	sshrl.u32 s1, $0x3  }
0x15d: {  	[spmem:s1@s18], [sflag:s20] =	dma.strided [hbm:s0@s18], $0x100, s17, $0x10   }
0x15e: {  	s30 =	smov.u32 s29;
	s29 =	sadd.s32 $0x800, s29;
	s1 =	sld [smem:s28+$0x0]  }
.Ltmp5:
0x15f: {  	_ = 	snop;
	(pc) =	sbr.rel .LBB1_9-.Ltmp5, $1  }
0x160: {  	_ =	sdelay $0x2  }
0x161: {  	_ =	shalt  }
tec
execute0_lowered:
.L_overlay_start_1:
0x0: {  	(tag) =	ssettag $0x1  }
0x1: {  	s1 =	rddreg [dreg:$0x0]  }
0x2: {  	s0 =	srdreg.scid;
	s2 =	rddreg [dreg:$0x1]  }
0x3: {  	s6 =	stileid.u32;
	s12 =	rddreg [dreg:$0x2];
	s14 =	simm.s32 $0x9  }
0x4: {  	s15 =	simm.s32 $0x300;
	s20 =	simm.s32 $0xCB00;
	s21 =	simm.s32 $0xD300  }
0x5: {  	s22 =	simm.s32 $0xDB00;
	s23 =	simm.s32 $0xE300;
	s24 =	simm.s32 $0xEB00  }
0x6: {  	s25 =	simm.s32 $0xF300;
	s26 =	simm.s32 $0xFB00;
	s28 =	simm.s32 $0x4  }
0x7: {  	s29 =	simm.s32 $0x5;
	s30 =	simm.s32 $0x6;
	s10 =	smul.u32 $0x60, s6  }
0x8: {  	s31 =	simm.s32 $0x7;
	s0 =	sand.u32 $0x1, s0;
	s17 =	smul.u32 $0x180000, s6  }
0x9: {  	s7 =	sadd.s32 $0x300, s1;
	s8 =	sadd.s32 $0x400, s1;
	s9 =	smul.u32 $0x600, s0  }
0xa: {  	s3 =	sshll.u32 s0, $0x4;
	s5 =	ssub.s32 $0x2, s0;
	s0 =	smul.u32 $0x1800000, s0  }
0xb: {  	s4 =	sor.u32 s6, s3;
	s3 =	simm.s32 $0x0;
	s16 =	sshrl.u32 s5, $0x1  }
0xc: {  	s6 =	sadd.s32 $0x200, s1;
	s4 =	smul.u32 $0x60, s4;
	[smem:$0x7FF] =	sst s3  }
0xd: {  	s13 =	ssub.s32 s5, s16;
	_ =	strace $0x80000047;
	[dreg:$0x6] =	wrdreg s20  }
0xe: {  	s5 =	sadd.s32 $0x100, s1;
	s10 =	sadd.s32 s10, s9;
	[dreg:$0x7] =	wrdreg s21  }
0xf: {  	s0 =	sadd.s32 s17, s0;
	s9 =	sadd.s32 $0x500, s1;
	[dreg:$0x8] =	wrdreg s22  }
0x10: {  	s16 =	simm.s32 $0x0;
	s18 =	sshll.u32 s10, $0xB;
	[dreg:$0x9] =	wrdreg s23  }
0x11: {  	s0 =	sshrl.u32 s0, $0x3;
	s10 =	sadd.s32 $0x600, s1;
	[dreg:$0xa] =	wrdreg s24  }
0x12: {  	s13 =	smax.u32 s13, $0x1;
	[dreg:$0xb] =	wrdreg s25;
	s23 =	simm.s32 $0x4300  }
0x13: {  	[dreg:$0xc] =	wrdreg s26;
	s22 =	simm.s32 $0xC300;
	s24 =	simm.s32 $0x1  }
0x14: {  	s25 =	simm.s32 $0x2;
	s26 =	simm.s32 $0x3;
	s2 =	sadd.s32 s4, s2  }
0x15: {  	v0 =	vlaneseq.u32;
	s11 =	sadd.s32 s18, s12;
	s0 =	sadd.s32 s0, s12;
	s12 =	sadd.s32 $0x700, s1  }
0x16: {  	v1 =	vshrl.u32 v0, $0x3;
	s4 =	sadd.s32 $0x400, s2;
	[dreg:$0x4] =	wrdreg s0;
	s19 =	sadd.s32 $0x1000, s11  }
0x17: {  	vm0 =	vmmov $0xffff;
	v0 =	vand.u32 $0x7, v0;
	v1 =	vmul.u32 $0x8, v1;
	s2 =	simm.s32 $0x8300;
	s0 =	simm.s32 $0x8;
	[dreg:$0x5] =	wrdreg s19  }
.LBB2_1:
0x18: {  	[tilespmem:s3], [sflag:$0x9] =	stream.linear.gather [hbm4b:s4+s3], $0x300, $0x38;
	[tilespmem:$0x18300] =	vst v63  }
0x19: {  	_ =	swait.ge [sflag:s14], $0x300  }
0x1a: {  	[sflag:s14] =	ssyncset.done $0x0  }
0x1b: {  	[sflag:s14] =	ssyncadd.s32 $0xFFFFFD00  }
0x1c: {  	v2 =	vld.msk [tilespmem:$0x0], $0xff;
	_ =	sdelay $0x4  }
0x1d: {  	v3 =	vshll.u32 v2, $0x4  }
0x1e: {  	v2 =	vand.u32 $0x7, v2;
	v3 =	vand.u32 $0xFFFFFF80, v3  }
0x1f: {  	v2 =	vor.u32 v2, v3  }
0x20: {  	v2 =	vperm.xlane v2, v0;
	_ =	sdelay $0x1  }
0x21: {  	v2 =	vadd.s32 v1, v2;
	_ =	sdelay $0x4  }
0x22: {  	[tilespmem:s15], [sflag:$0x1] =	stream.indirect_vreg.gather [hbm4b:s1+s3], $0x80, v2, vm0, $0xb8;
	[tilespmem:$0x18300] =	vst v63  }
0x23: {  	s17 =	simm.s32 $0xB00  }
0x24: {  	[tilespmem:s17], [sflag:$0x1] =	stream.indirect_vreg.gather [hbm4b:s5+s3], $0x80, v2, vm0, $0xb8;
	[tilespmem:$0x18300] =	vst v63  }
0x25: {  	s18 =	simm.s32 $0x1300  }
0x26: {  	[tilespmem:s18], [sflag:$0x1] =	stream.indirect_vreg.gather [hbm4b:s6+s3], $0x80, v2, vm0, $0xb8;
	[tilespmem:$0x18300] =	vst v63  }
0x27: {  	s19 =	simm.s32 $0x1B00  }
0x28: {  	[tilespmem:s19], [sflag:$0x1] =	stream.indirect_vreg.gather [hbm4b:s7+s3], $0x80, v2, vm0, $0xb8;
	[tilespmem:$0x18300] =	vst v63  }
0x29: {  	s20 =	simm.s32 $0x2300  }
0x2a: {  	[tilespmem:s20], [sflag:$0x1] =	stream.indirect_vreg.gather [hbm4b:s8+s3], $0x80, v2, vm0, $0xb8;
	[tilespmem:$0x18300] =	vst v63  }
0x2b: {  	s21 =	simm.s32 $0x2B00  }
0x2c: {  	[tilespmem:s21], [sflag:$0x1] =	stream.indirect_vreg.gather [hbm4b:s9+s3], $0x80, v2, vm0, $0xb8;
	[tilespmem:$0x18300] =	vst v63  }
0x2d: {  	s18 =	simm.s32 $0x3300  }
0x2e: {  	[tilespmem:s18], [sflag:$0x1] =	stream.indirect_vreg.gather [hbm4b:s10+s3], $0x80, v2, vm0, $0xb8;
	[tilespmem:$0x18300] =	vst v63  }
0x2f: {  	s19 =	simm.s32 $0x3B00  }
0x30: {  	[tilespmem:s19], [sflag:$0x1] =	stream.indirect_vreg.gather [hbm4b:s12+s3], $0x80, v2, vm0, $0xb8;
	[tilespmem:$0x18300] =	vst v63  }
0x31: {  	v2 =	vld.msk [tilespmem:$0x8], $0xff;
	_ =	sdelay $0x4  }
0x32: {  	v3 =	vshll.u32 v2, $0x4  }
0x33: {  	v2 =	vand.u32 $0x7, v2;
	v3 =	vand.u32 $0xFFFFFF80, v3  }
0x34: {  	v2 =	vor.u32 v2, v3  }
0x35: {  	v2 =	vperm.xlane v2, v0;
	_ =	sdelay $0x1  }
0x36: {  	v2 =	vadd.s32 v1, v2;
	_ =	sdelay $0x4  }
0x37: {  	[tilespmem:s23], [sflag:$0x2] =	stream.indirect_vreg.gather [hbm4b:s1+s3], $0x80, v2, vm0, $0xb8;
	[tilespmem:$0x18300] =	vst v63  }
0x38: {  	s20 =	simm.s32 $0x4B00  }
0x39: {  	[tilespmem:s20], [sflag:$0x2] =	stream.indirect_vreg.gather [hbm4b:s5+s3], $0x80, v2, vm0, $0xb8;
	[tilespmem:$0x18300] =	vst v63  }
0x3a: {  	s21 =	simm.s32 $0x5300  }
0x3b: {  	[tilespmem:s21], [sflag:$0x2] =	stream.indirect_vreg.gather [hbm4b:s6+s3], $0x80, v2, vm0, $0xb8;
	[tilespmem:$0x18300] =	vst v63  }
0x3c: {  	s18 =	simm.s32 $0x5B00  }
0x3d: {  	[tilespmem:s18], [sflag:$0x2] =	stream.indirect_vreg.gather [hbm4b:s7+s3], $0x80, v2, vm0, $0xb8;
	[tilespmem:$0x18300] =	vst v63  }
0x3e: {  	s19 =	simm.s32 $0x6300  }
0x3f: {  	[tilespmem:s19], [sflag:$0x2] =	stream.indirect_vreg.gather [hbm4b:s8+s3], $0x80, v2, vm0, $0xb8;
	[tilespmem:$0x18300] =	vst v63  }
0x40: {  	s20 =	simm.s32 $0x6B00  }
0x41: {  	[tilespmem:s20], [sflag:$0x2] =	stream.indirect_vreg.gather [hbm4b:s9+s3], $0x80, v2, vm0, $0xb8;
	[tilespmem:$0x18300] =	vst v63  }
0x42: {  	s21 =	simm.s32 $0x7300  }
0x43: {  	[tilespmem:s21], [sflag:$0x2] =	stream.indirect_vreg.gather [hbm4b:s10+s3], $0x80, v2, vm0, $0xb8;
	[tilespmem:$0x18300] =	vst v63  }
0x44: {  	s18 =	simm.s32 $0x7B00  }
0x45: {  	[tilespmem:s18], [sflag:$0x2] =	stream.indirect_vreg.gather [hbm4b:s12+s3], $0x80, v2, vm0, $0xb8;
	[tilespmem:$0x18300] =	vst v63  }
0x46: {  	v2 =	vld.msk [tilespmem:$0x10], $0xff;
	_ =	sdelay $0x4  }
0x47: {  	v3 =	vshll.u32 v2, $0x4  }
0x48: {  	v2 =	vand.u32 $0x7, v2;
	v3 =	vand.u32 $0xFFFFFF80, v3  }
0x49: {  	v2 =	vor.u32 v2, v3  }
0x4a: {  	v2 =	vperm.xlane v2, v0;
	_ =	sdelay $0x1  }
0x4b: {  	v2 =	vadd.s32 v1, v2;
	_ =	sdelay $0x4  }
0x4c: {  	[tilespmem:s2], [sflag:$0x3] =	stream.indirect_vreg.gather [hbm4b:s1+s3], $0x80, v2, vm0, $0xb8;
	[tilespmem:$0x18300] =	vst v63  }
0x4d: {  	s19 =	simm.s32 $0x8B00  }
0x4e: {  	[tilespmem:s19], [sflag:$0x3] =	stream.indirect_vreg.gather [hbm4b:s5+s3], $0x80, v2, vm0, $0xb8;
	[tilespmem:$0x18300] =	vst v63  }
0x4f: {  	s20 =	simm.s32 $0x9300  }
0x50: {  	[tilespmem:s20], [sflag:$0x3] =	stream.indirect_vreg.gather [hbm4b:s6+s3], $0x80, v2, vm0, $0xb8;
	[tilespmem:$0x18300] =	vst v63  }
0x51: {  	s21 =	simm.s32 $0x9B00  }
0x52: {  	[tilespmem:s21], [sflag:$0x3] =	stream.indirect_vreg.gather [hbm4b:s7+s3], $0x80, v2, vm0, $0xb8;
	[tilespmem:$0x18300] =	vst v63  }
0x53: {  	s18 =	simm.s32 $0xA300  }
0x54: {  	[tilespmem:s18], [sflag:$0x3] =	stream.indirect_vreg.gather [hbm4b:s8+s3], $0x80, v2, vm0, $0xb8;
	[tilespmem:$0x18300] =	vst v63  }
0x55: {  	s19 =	simm.s32 $0xAB00  }
0x56: {  	[tilespmem:s19], [sflag:$0x3] =	stream.indirect_vreg.gather [hbm4b:s9+s3], $0x80, v2, vm0, $0xb8;
	[tilespmem:$0x18300] =	vst v63  }
0x57: {  	s20 =	simm.s32 $0xB300  }
0x58: {  	[tilespmem:s20], [sflag:$0x3] =	stream.indirect_vreg.gather [hbm4b:s10+s3], $0x80, v2, vm0, $0xb8;
	[tilespmem:$0x18300] =	vst v63  }
0x59: {  	s17 =	simm.s32 $0x30;
	s21 =	simm.s32 $0xBB00;
	s18 =	simm.s32 $0x0  }
0x5a: {  	[tilespmem:s21], [sflag:$0x3] =	stream.indirect_vreg.gather [hbm4b:s12+s3], $0x80, v2, vm0, $0xb8;
	[tilespmem:$0x18300] =	vst v63  }
.LBB2_2:
0x5b: {  	p0 =	seq.s32 s18, $0x0  }
0x5c: {  	s19 =	simm.s32 @!p0 $0x8  }
0x5d: {  	_ =	swait.ge @!p0 [sflag:s19], $0x4000  }
0x5e: {  	[sflag:s19] =	ssyncset.done @!p0 $0x0  }
0x5f: {  	[sflag:s19] =	ssyncadd.s32 @!p0 $0xFFFFC000  }
0x60: {  	v2 =	vld.msk [tilespmem:s17+$0xFFFFFFE8], $0xff;
	_ =	sdelay $0x4  }
0x61: {  	v3 =	vshll.u32 v2, $0x4  }
0x62: {  	v2 =	vand.u32 $0x7, v2;
	v3 =	vand.u32 $0xFFFFFF80, v3  }
0x63: {  	v2 =	vor.u32 v2, v3  }
0x64: {  	v2 =	vperm.xlane v2, v0;
	_ =	sdelay $0x1  }
0x65: {  	v2 =	vadd.s32 v1, v2;
	_ =	sdelay $0x4  }
0x66: {  	[tilespmem:s22], [sflag:$0x4] =	stream.indirect_vreg.gather [hbm4b:s1+s3], $0x80, v2, vm0, $0xb8;
	[tilespmem:$0x18300] =	vst v63  }
0x67: {  	s21 =	rddreg [dreg:$0x6]  }
0x68: {  	[tilespmem:s21], [sflag:$0x4] =	stream.indirect_vreg.gather [hbm4b:s5+s3], $0x80, v2, vm0, $0xb8;
	[tilespmem:$0x18300] =	vst v63  }
0x69: {  	s20 =	rddreg [dreg:$0x7]  }
0x6a: {  	[tilespmem:s20], [sflag:$0x4] =	stream.indirect_vreg.gather [hbm4b:s6+s3], $0x80, v2, vm0, $0xb8;
	[tilespmem:$0x18300] =	vst v63  }
0x6b: {  	s21 =	rddreg [dreg:$0x8]  }
0x6c: {  	[tilespmem:s21], [sflag:$0x4] =	stream.indirect_vreg.gather [hbm4b:s7+s3], $0x80, v2, vm0, $0xb8;
	[tilespmem:$0x18300] =	vst v63  }
0x6d: {  	s20 =	rddreg [dreg:$0x9]  }
0x6e: {  	[tilespmem:s20], [sflag:$0x4] =	stream.indirect_vreg.gather [hbm4b:s8+s3], $0x80, v2, vm0, $0xb8;
	[tilespmem:$0x18300] =	vst v63  }
0x6f: {  	s21 =	rddreg [dreg:$0xa]  }
0x70: {  	[tilespmem:s21], [sflag:$0x4] =	stream.indirect_vreg.gather [hbm4b:s9+s3], $0x80, v2, vm0, $0xb8;
	[tilespmem:$0x18300] =	vst v63  }
0x71: {  	s20 =	rddreg [dreg:$0xb]  }
0x72: {  	[tilespmem:s20], [sflag:$0x4] =	stream.indirect_vreg.gather [hbm4b:s10+s3], $0x80, v2, vm0, $0xb8;
	[tilespmem:$0x18300] =	vst v63  }
0x73: {  	s21 =	rddreg [dreg:$0xc]  }
0x74: {  	[tilespmem:s21], [sflag:$0x4] =	stream.indirect_vreg.gather [hbm4b:s12+s3], $0x80, v2, vm0, $0xb8;
	[tilespmem:$0x18300] =	vst v63  }
0x75: {  	_ =	swait.ge [sflag:s24], $0x4000  }
0x76: {  	s20 =	rddreg [dreg:$0x4];
	[sflag:s24] =	ssyncset.done $0x0  }
0x77: {  	p0 =	seq.s32 s18, $0x2E000;
	[sflag:s24] =	ssyncadd.s32 $0xFFFFC000;
	s19 =	sadd.s32 s18, s20  }
0x78: {  	[hbm4b:s19+s3] =	stream.linear.scatter [tilespmem:s15], [sflag:$0x5], $0x4000, $0x38;
	[tilespmem:$0x18300] =	vst v63  }
0x79: {  	s19 =	simm.s32 @!p0 $0x5  }
0x7a: {  	_ =	swait.ge @!p0 [sflag:s19], $0x4000  }
0x7b: {  	[sflag:s19] =	ssyncset.done @!p0 $0x0  }
0x7c: {  	[sflag:s19] =	ssyncadd.s32 @!p0 $0xFFFFC000  }
0x7d: {  	v2 =	vld.msk @!p0 [tilespmem:s17+$0xFFFFFFF0], $0xff;
	_ =	sdelay $0x4  }
0x7e: {  	v3 =	vshll.u32 @!p0 v2, $0x4  }
0x7f: {  	v4 =	vlaneseq.u32 @!p0;
	v2 =	vand.u32 @!p0 $0x7, v2;
	v3 =	vand.u32 @!p0 $0xFFFFFF80, v3  }
0x80: {  	v2 =	vor.u32 @!p0 v2, v3;
	v3 =	vand.u32 @!p0 $0x7, v4;
	v4 =	vshrl.u32 @!p0 v4, $0x3  }
0x81: {  	v2 =	vperm.xlane @!p0 v2, v3;
	v4 =	vmul.u32 @!p0 $0x8, v4;
	_ =	sdelay $0x1  }
0x82: {  	v2 =	vadd.s32 @!p0 v4, v2;
	_ =	sdelay $0x3  }
0x83: {  	vm1 =	vmmov @!p0 $0xffff;
	s20 =	simm.s32 @!p0 $0x300;
	s19 =	simm.s32 @!p0 $0x0  }
0x84: {  	[tilespmem:s20], [sflag:$0x1] =	stream.indirect_vreg.gather @!p0 [hbm4b:s1+s19], $0x80, v2, vm1, $0xb8;
	[tilespmem:$0x18300] =	vst v63  }
0x85: {  	s20 =	simm.s32 @!p0 $0xB00  }
0x86: {  	[tilespmem:s20], [sflag:$0x1] =	stream.indirect_vreg.gather @!p0 [hbm4b:s5+s19], $0x80, v2, vm1, $0xb8;
	[tilespmem:$0x18300] =	vst v63  }
0x87: {  	s20 =	simm.s32 @!p0 $0x1300  }
0x88: {  	[tilespmem:s20], [sflag:$0x1] =	stream.indirect_vreg.gather @!p0 [hbm4b:s6+s19], $0x80, v2, vm1, $0xb8;
	[tilespmem:$0x18300] =	vst v63  }
0x89: {  	s20 =	simm.s32 @!p0 $0x1B00  }
0x8a: {  	[tilespmem:s20], [sflag:$0x1] =	stream.indirect_vreg.gather @!p0 [hbm4b:s7+s19], $0x80, v2, vm1, $0xb8;
	[tilespmem:$0x18300] =	vst v63  }
0x8b: {  	s20 =	simm.s32 @!p0 $0x2300  }
0x8c: {  	[tilespmem:s20], [sflag:$0x1] =	stream.indirect_vreg.gather @!p0 [hbm4b:s8+s19], $0x80, v2, vm1, $0xb8;
	[tilespmem:$0x18300] =	vst v63  }
0x8d: {  	s20 =	simm.s32 @!p0 $0x2B00  }
0x8e: {  	[tilespmem:s20], [sflag:$0x1] =	stream.indirect_vreg.gather @!p0 [hbm4b:s9+s19], $0x80, v2, vm1, $0xb8;
	[tilespmem:$0x18300] =	vst v63  }
0x8f: {  	s20 =	simm.s32 @!p0 $0x3300  }
0x90: {  	[tilespmem:s20], [sflag:$0x1] =	stream.indirect_vreg.gather @!p0 [hbm4b:s10+s19], $0x80, v2, vm1, $0xb8;
	[tilespmem:$0x18300] =	vst v63  }
0x91: {  	s20 =	simm.s32 @!p0 $0x3B00  }
0x92: {  	[tilespmem:s20], [sflag:$0x1] =	stream.indirect_vreg.gather @!p0 [hbm4b:s12+s19], $0x80, v2, vm1, $0xb8;
	[tilespmem:$0x18300] =	vst v63  }
0x93: {  	_ =	swait.ge [sflag:s25], $0x4000  }
0x94: {  	s20 =	sadd.s32 s18, s11;
	[sflag:s25] =	ssyncset.done $0x0  }
0x95: {  	s21 =	sadd.s32 $0x800, s20;
	[sflag:s25] =	ssyncadd.s32 $0xFFFFC000  }
0x96: {  	[hbm4b:s21+s3] =	stream.linear.scatter [tilespmem:s23], [sflag:$0x6], $0x4000, $0x38;
	[tilespmem:$0x18300] =	vst v63  }
0x97: {  	s21 =	simm.s32 @!p0 $0x6  }
0x98: {  	_ =	swait.ge @!p0 [sflag:s21], $0x4000  }
0x99: {  	[sflag:s21] =	ssyncset.done @!p0 $0x0  }
0x9a: {  	[sflag:s21] =	ssyncadd.s32 @!p0 $0xFFFFC000  }
0x9b: {  	v2 =	vld.msk @!p0 [tilespmem:s17+$0xFFFFFFF8], $0xff;
	_ =	sdelay $0x4  }
0x9c: {  	v5 =	vshll.u32 @!p0 v2, $0x4  }
0x9d: {  	v2 =	vand.u32 @!p0 $0x7, v2;
	v5 =	vand.u32 @!p0 $0xFFFFFF80, v5  }
0x9e: {  	v2 =	vor.u32 @!p0 v2, v5  }
0x9f: {  	v2 =	vperm.xlane @!p0 v2, v3;
	_ =	sdelay $0x1  }
0xa0: {  	v2 =	vadd.s32 @!p0 v4, v2;
	_ =	sdelay $0x3  }
0xa1: {  	s21 =	simm.s32 @!p0 $0x4300  }
0xa2: {  	[tilespmem:s21], [sflag:$0x2] =	stream.indirect_vreg.gather @!p0 [hbm4b:s1+s19], $0x80, v2, vm1, $0xb8;
	[tilespmem:$0x18300] =	vst v63  }
0xa3: {  	s21 =	simm.s32 @!p0 $0x4B00  }
0xa4: {  	[tilespmem:s21], [sflag:$0x2] =	stream.indirect_vreg.gather @!p0 [hbm4b:s5+s19], $0x80, v2, vm1, $0xb8;
	[tilespmem:$0x18300] =	vst v63  }
0xa5: {  	s21 =	simm.s32 @!p0 $0x5300  }
0xa6: {  	[tilespmem:s21], [sflag:$0x2] =	stream.indirect_vreg.gather @!p0 [hbm4b:s6+s19], $0x80, v2, vm1, $0xb8;
	[tilespmem:$0x18300] =	vst v63  }
0xa7: {  	s21 =	simm.s32 @!p0 $0x5B00  }
0xa8: {  	[tilespmem:s21], [sflag:$0x2] =	stream.indirect_vreg.gather @!p0 [hbm4b:s7+s19], $0x80, v2, vm1, $0xb8;
	[tilespmem:$0x18300] =	vst v63  }
0xa9: {  	s21 =	simm.s32 @!p0 $0x6300  }
0xaa: {  	[tilespmem:s21], [sflag:$0x2] =	stream.indirect_vreg.gather @!p0 [hbm4b:s8+s19], $0x80, v2, vm1, $0xb8;
	[tilespmem:$0x18300] =	vst v63  }
0xab: {  	s21 =	simm.s32 @!p0 $0x6B00  }
0xac: {  	[tilespmem:s21], [sflag:$0x2] =	stream.indirect_vreg.gather @!p0 [hbm4b:s9+s19], $0x80, v2, vm1, $0xb8;
	[tilespmem:$0x18300] =	vst v63  }
0xad: {  	s21 =	simm.s32 @!p0 $0x7300  }
0xae: {  	[tilespmem:s21], [sflag:$0x2] =	stream.indirect_vreg.gather @!p0 [hbm4b:s10+s19], $0x80, v2, vm1, $0xb8;
	[tilespmem:$0x18300] =	vst v63  }
0xaf: {  	s21 =	simm.s32 @!p0 $0x7B00  }
0xb0: {  	[tilespmem:s21], [sflag:$0x2] =	stream.indirect_vreg.gather @!p0 [hbm4b:s12+s19], $0x80, v2, vm1, $0xb8;
	[tilespmem:$0x18300] =	vst v63  }
0xb1: {  	_ =	swait.ge [sflag:s26], $0x4000  }
0xb2: {  	s21 =	rddreg [dreg:$0x5];
	[sflag:s26] =	ssyncset.done $0x0  }
0xb3: {  	[sflag:s26] =	ssyncadd.s32 $0xFFFFC000;
	s21 =	sadd.s32 s18, s21  }
0xb4: {  	[hbm4b:s21+s3] =	stream.linear.scatter [tilespmem:s2], [sflag:$0x7], $0x4000, $0x38;
	[tilespmem:$0x18300] =	vst v63  }
0xb5: {  	s21 =	simm.s32 @!p0 $0x7  }
0xb6: {  	_ =	swait.ge @!p0 [sflag:s21], $0x4000  }
0xb7: {  	[sflag:s21] =	ssyncset.done @!p0 $0x0  }
0xb8: {  	[sflag:s21] =	ssyncadd.s32 @!p0 $0xFFFFC000  }
0xb9: {  	v2 =	vld.msk @!p0 [tilespmem:s17+$0x0], $0xff;
	_ =	sdelay $0x4  }
0xba: {  	v5 =	vshll.u32 @!p0 v2, $0x4  }
0xbb: {  	v2 =	vand.u32 @!p0 $0x7, v2;
	v5 =	vand.u32 @!p0 $0xFFFFFF80, v5  }
0xbc: {  	v2 =	vor.u32 @!p0 v2, v5  }
0xbd: {  	v2 =	vperm.xlane @!p0 v2, v3;
	_ =	sdelay $0x1  }
0xbe: {  	v2 =	vadd.s32 @!p0 v4, v2;
	_ =	sdelay $0x3  }
0xbf: {  	s21 =	simm.s32 @!p0 $0x8300  }
0xc0: {  	[tilespmem:s21], [sflag:$0x3] =	stream.indirect_vreg.gather @!p0 [hbm4b:s1+s19], $0x80, v2, vm1, $0xb8;
	[tilespmem:$0x18300] =	vst v63  }
0xc1: {  	s21 =	simm.s32 @!p0 $0x8B00  }
0xc2: {  	[tilespmem:s21], [sflag:$0x3] =	stream.indirect_vreg.gather @!p0 [hbm4b:s5+s19], $0x80, v2, vm1, $0xb8;
	[tilespmem:$0x18300] =	vst v63  }
0xc3: {  	s21 =	simm.s32 @!p0 $0x9300  }
0xc4: {  	[tilespmem:s21], [sflag:$0x3] =	stream.indirect_vreg.gather @!p0 [hbm4b:s6+s19], $0x80, v2, vm1, $0xb8;
	[tilespmem:$0x18300] =	vst v63  }
0xc5: {  	s21 =	simm.s32 @!p0 $0x9B00  }
0xc6: {  	[tilespmem:s21], [sflag:$0x3] =	stream.indirect_vreg.gather @!p0 [hbm4b:s7+s19], $0x80, v2, vm1, $0xb8;
	[tilespmem:$0x18300] =	vst v63  }
0xc7: {  	s21 =	simm.s32 @!p0 $0xA300  }
0xc8: {  	[tilespmem:s21], [sflag:$0x3] =	stream.indirect_vreg.gather @!p0 [hbm4b:s8+s19], $0x80, v2, vm1, $0xb8;
	[tilespmem:$0x18300] =	vst v63  }
0xc9: {  	s21 =	simm.s32 @!p0 $0xAB00  }
0xca: {  	[tilespmem:s21], [sflag:$0x3] =	stream.indirect_vreg.gather @!p0 [hbm4b:s9+s19], $0x80, v2, vm1, $0xb8;
	[tilespmem:$0x18300] =	vst v63  }
0xcb: {  	s21 =	simm.s32 @!p0 $0xB300  }
0xcc: {  	[tilespmem:s21], [sflag:$0x3] =	stream.indirect_vreg.gather @!p0 [hbm4b:s10+s19], $0x80, v2, vm1, $0xb8;
	[tilespmem:$0x18300] =	vst v63  }
0xcd: {  	s18 =	sadd.s32 $0x2000, s18;
	s21 =	simm.s32 @!p0 $0xBB00  }
0xce: {  	[tilespmem:s21], [sflag:$0x3] =	stream.indirect_vreg.gather @!p0 [hbm4b:s12+s19], $0x80, v2, vm1, $0xb8;
	[tilespmem:$0x18300] =	vst v63  }
0xcf: {  	p0 =	sne.s32 s18, $0x30000  }
.Ltmp6:
0xd0: {  	_ = 	snop;
	(pc) =	sbr.rel @p0 .LBB2_2-.Ltmp6, $4  }
0xd1: {  	_ =	swait.ge [sflag:s28], $0x4000  }
0xd2: {  	[sflag:s28] =	ssyncset.done $0x0  }
0xd3: {  	s17 =	sadd.s32 $0x20, s17;
	s21 =	sadd.s32 $0x1800, s20;
	[sflag:s28] =	ssyncadd.s32 $0xFFFFC000  }
0xd4: {  	[hbm4b:s21+s3] =	stream.linear.scatter [tilespmem:s22], [sflag:$0x8], $0x4000, $0x38;
	[tilespmem:$0x18300] =	vst v63  }
0xd5: {  	_ =	swait.ge [sflag:s29], $0x4000  }
0xd6: {  	[sflag:s29] =	ssyncset.done $0x0  }
0xd7: {  	[sflag:s29] =	ssyncadd.s32 $0xFFFFC000  }
0xd8: {  	_ =	swait.ge [sflag:s30], $0x4000  }
0xd9: {  	[sflag:s30] =	ssyncset.done $0x0  }
0xda: {  	s16 =	sadd.s32 $0x1, s16;
	[sflag:s30] =	ssyncadd.s32 $0xFFFFC000  }
0xdb: {  	p0 =	sne.s32 s16, s13;
	_ =	swait.ge [sflag:s31], $0x4000  }
.Ltmp7:
0xdc: {  	[sflag:s31] =	ssyncset.done $0x0;
	(pc) =	sbr.rel @p0 .LBB2_1-.Ltmp7, $4  }
0xdd: {  	[sflag:s31] =	ssyncadd.s32 $0xFFFFC000  }
0xde: {  	_ =	swait.ge [sflag:s0], $0x4000  }
0xdf: {  	[sflag:s0] =	ssyncset.done $0x0  }
0xe0: {  	[sflag:s0] =	ssyncadd.s32 $0xFFFFC000  }
0xe1: {  	_ =	sfence.sel $0x180000  }
0xe2: {  	[bflag:$0x0] =	sbarrier.arrive $0xFFFF  }
0xe3: {  	_ =	strace $0x90000047  }
0xe4: {  	s0 =	stileid.u32;
	[bflag:$0x2] =	sbarrier.arrive $0xFFFF  }
0xe5: {  	p0 =	sne.s32 s0, $0x0;
	s0 =	rddreg [dreg:$0x3]  }
0xe6: {  	s0 =	sadd.s32 @!p0 $0x100000, s0  }
0xe7: {  	[sflag:s0] =	ssyncadd.tile.s32 @!p0 $0x1;
	_ =	shalt  }
.Lfunc_end2:
_tile_overlayer_lowered:
.L_overlay_start_2:
0xe8: {  	(tag) =	ssettag $0x2  }
0xe9: {  	s0 =	rddreg [dreg:$0x0];
	s2 =	stileid.u32  }
0xea: {  	s1 =	rddreg [dreg:$0x1];
	p0 =	sne.s32 s2, $0x0  }
0xeb: {  	s3 =	rddreg [dreg:$0x2];
	[bflag:$0x3] =	sbarrier.arrive $0xFFFF;
	s2 =	simm.s32 @!p0 $0x1C09  }
0xec: {  	[timem:s3], [sflag:s2] =	dma.local @!p0 [hbm:s0], s1  }
0xed: {  	s0 =	simm.s32 @!p0 $0x9  }
0xee: {  	_ =	swait.ge @!p0 [sflag:s0], s1  }
0xef: {  	s1 =	ssub.s32 @!p0 $0x0, s1;
	[sflag:s0] =	ssyncset.done @!p0 $0x0  }
0xf0: {  	[sflag:s0] =	ssyncadd.s32 @!p0 s1  }
0xf1: {  	[bflag:$0x3] =	sbarrier.arrive $0xFFFF  }
0xf2: {  	_ =	shalt  }

</sc_bundles>
